<compile_context>
chip_gen: v7x
topology: tpu7x:2x2x1
jax: 0.10.2.dev20260603
libtpu: 0.0.44.dev20260713+nightly
codegen_flags: <defaults>
</compile_context>

<pallas_src>
import functools

import jax
import jax.numpy as jnp
from jax import lax
from jax.experimental import pallas as pl
from jax.experimental.pallas import tpu as pltpu
from jax.experimental.pallas import tpu_sc as plsc

K = 8192
D = 256
B = 16
S = 1024
N = B * S
KB = 1024
BETA = 0.25


_GROUPS = (
    ((0, 1024), (1024, 1024), (2048, 688)),
    ((2736, 1024), (3760, 1024), (4784, 688)),
    ((5472, 1024), (6496, 1024), (7520, 672)),
)


_IPS = 2
_S2 = S * _IPS


def _argmin_body(z_ref, zn2_ref, e2_ref, idx_ref, loss_ref):
    zb16 = jnp.concatenate(
        [z_ref[i] for i in range(_IPS)], axis=1).astype(jnp.bfloat16)
    zn2 = zn2_ref[0]
    iotas = {
        kb: lax.broadcasted_iota(jnp.int32, (kb, 1), 0).astype(jnp.float32)
        for kb in {kb for chunks in _GROUPS for _, kb in chunks}
    }
    chunk_list = [(g, k0, kb)
                  for g, chunks in enumerate(_GROUPS) for k0, kb in chunks]

    def _dot(k0, kb):
        eb16 = e2_ref[k0:k0 + kb, :]
        return lax.dot_general(eb16, zb16, (((1,), (0,)), ((), ())),
                               preferred_element_type=jnp.float32)

    acc = [[jnp.full((1, _S2), jnp.inf, jnp.float32),
            jnp.zeros((1, _S2), jnp.int32)] for _ in range(3)]
    dots_next = _dot(*chunk_list[0][1:])
    for ci, (g, k0, kb) in enumerate(chunk_list):
        dots = dots_next
        if ci + 1 < len(chunk_list):
            dots_next = _dot(*chunk_list[ci + 1][1:])
        M = jnp.max(dots, axis=0, keepdims=True)
        bm = zn2 - M
        bmb = lax.bitcast_convert_type(bm, jnp.int32)
        u_up = lax.bitcast_convert_type(bmb + 1, jnp.float32) - bm
        c = zn2 - bm
        xlow = c - 0.5 * u_up
        even = jnp.bitwise_and(bmb, 1) == 0
        xlow_b = lax.bitcast_convert_type(xlow, jnp.int32)
        t_lo = jnp.where(even, xlow,
                         lax.bitcast_convert_type(xlow_b + 1, jnp.float32))
        bif = jnp.min(jnp.where(dots >= t_lo, iotas[kb],
                                jnp.float32(2.0 ** 30)),
                      axis=0, keepdims=True)
        bi = bif.astype(jnp.int32) + k0
        upd = bm < acc[g][0]
        acc[g][0] = jnp.where(upd, bm, acc[g][0])
        acc[g][1] = jnp.where(upd, bi, acc[g][1])
    (m1, i1), (m2, i2), (m3, i3) = [tuple(a) for a in acc]
    v1b = m1.astype(jnp.bfloat16).astype(jnp.float32)
    pick2 = (m2 < v1b) | ((m2 == v1b) & (i2 < i1))
    wm = jnp.where(pick2, m2, m1)
    wi = jnp.where(pick2, i2, i1)
    v2b = jnp.minimum(v1b, m2).astype(jnp.bfloat16).astype(jnp.float32)
    pick3 = (m3 < v2b) | ((m3 == v2b) & (i3 < wi))
    wm = jnp.where(pick3, m3, wm)
    wi = jnp.where(pick3, i3, wi)
    idx_ref[...] = wi.reshape(1, 1, _S2)
    b = pl.program_id(0)

    @pl.when(b == 0)
    def _init():
        loss_ref[...] = jnp.zeros_like(loss_ref)

    loss_ref[...] += jnp.sum(wm, axis=1, keepdims=True)


def _distance_argmin(z_r, zn2_r, e2_16):
    nb = z_r.shape[0] // _IPS
    return pl.pallas_call(
        _argmin_body,
        grid=(nb,),
        in_specs=[
            pl.BlockSpec((_IPS, D, S), lambda b: (b, 0, 0)),
            pl.BlockSpec((1, 1, _S2), lambda b: (b, 0, 0)),
            pl.BlockSpec((K, D), lambda b: (0, 0)),
        ],
        out_specs=[
            pl.BlockSpec((1, 1, _S2), lambda b: (b, 0, 0)),
            pl.BlockSpec((1, 1), lambda b: (0, 0)),
        ],
        out_shape=[
            jax.ShapeDtypeStruct((nb, 1, _S2), jnp.int32),
            jax.ShapeDtypeStruct((1, 1), jnp.float32),
        ],
        compiler_params=pltpu.CompilerParams(
            dimension_semantics=("arbitrary",)),
    )(z_r, zn2_r, e2_16)


_NW = 32
_CHUNK = 128


@functools.cache
def _make_gather_rows(n_rows):
    _ROWS_PER_W = n_rows // _NW
    _NCHUNK = _ROWS_PER_W // _CHUNK

    @functools.partial(
        pl.kernel,
        mesh=plsc.VectorSubcoreMesh(core_axis_name="c", subcore_axis_name="s"),
        out_type=jax.ShapeDtypeStruct((n_rows, D), jnp.float32),
        scratch_types=[
            pltpu.VMEM((_ROWS_PER_W,), jnp.int32),
            pltpu.VMEM((_CHUNK, D), jnp.float32),
            pltpu.VMEM((_CHUNK, D), jnp.float32),
            pltpu.SemaphoreType.DMA,
            pltpu.SemaphoreType.DMA,
        ],
    )
    def _gather_rows(e_hbm, idx_hbm, out_hbm, idx_v, rows0, rows1, s0, s1):
        wid = lax.axis_index("s") * 2 + lax.axis_index("c")
        base = wid * _ROWS_PER_W
        pltpu.sync_copy(idx_hbm.at[pl.ds(base, _ROWS_PER_W)], idx_v)
        rows = (rows0, rows1)
        sems = (s0, s1)
        cps = [None] * _NCHUNK
        cps[0] = pltpu.async_copy(
            e_hbm.at[idx_v.at[pl.ds(0, _CHUNK)]], rows[0], sems[0])
        for c in range(_NCHUNK):
            if c + 1 < _NCHUNK:
                cps[c + 1] = pltpu.async_copy(
                    e_hbm.at[idx_v.at[pl.ds((c + 1) * _CHUNK, _CHUNK)]],
                    rows[(c + 1) % 2], sems[(c + 1) % 2])
            cps[c].wait()
            pltpu.sync_copy(rows[c % 2],
                            out_hbm.at[pl.ds(base + c * _CHUNK, _CHUNK)])

    return _gather_rows


def kernel(z, embedding_weight):
    z_r = z.reshape(B, D, S)
    zn2_r = jnp.sum(z * z, axis=1).reshape(B // _IPS, 1, _S2)
    e2_16 = (embedding_weight * 2).astype(jnp.bfloat16)
    h = B // 2
    hb = h // _IPS
    gather = _make_gather_rows(N // 2)
    idxA, lossA = _distance_argmin(z_r[:h], zn2_r[:hb], e2_16)
    zqA = gather(embedding_weight, idxA.reshape(N // 2))
    idxB, lossB = _distance_argmin(z_r[h:], zn2_r[hb:], e2_16)
    zqB = gather(embedding_weight, idxB.reshape(N // 2))
    idx = jnp.concatenate([idxA.reshape(N // 2), idxB.reshape(N // 2)])
    zq_flat = jnp.concatenate([zqA, zqB], axis=0)
    z_q_out = zq_flat.reshape(B, 32, 32, D).transpose(0, 3, 1, 2)
    m = (lossA[0, 0] + lossB[0, 0]) / jnp.float32(N * D)
    loss = m + BETA * m
    return z_q_out, loss, idx

# --- scband reference (transcript-rebuilt; emitter-appended) ---
"""Pipeline reference for scband-emavector-quantizer-48206712930872 (READ-ONLY COPY).

The authoritative reference and input builder live on the scoring server;
editing this copy changes nothing except your own understanding.
"""

import jax, jax.numpy as jnp
import numpy as np

CODEBOOK_DIM = 8192
EMBEDDING_DIM = 256
BETA = 0.25


def setup_inputs(seed: int = 0) -> dict:
    key = jax.random.key(seed)
    k1, k2 = jax.random.split(key)
    z = jax.random.normal(k1, (16, 256, 32, 32), dtype=jnp.float32)
    lim = 1.0 / CODEBOOK_DIM
    embedding_weight = jax.random.uniform(
        k2, (CODEBOOK_DIM, EMBEDDING_DIM), dtype=jnp.float32, minval=-lim, maxval=lim
    )
    return {"z": z, "embedding_weight": embedding_weight}


def reference(z, embedding_weight):
    # z: [B, C, H, W] -> [B, H, W, C]
    zp = jnp.transpose(z, (0, 2, 3, 1))
    z_flat = zp.reshape(-1, EMBEDDING_DIM)
    # squared-distance matrix: [N, K]
    d = (
        jnp.sum(z_flat ** 2, axis=1, keepdims=True)
        + jnp.sum(embedding_weight ** 2, axis=1)
        - 2.0 * jnp.einsum("bd,dn->bn", z_flat, embedding_weight.T)
    )
    min_encoding_indices = jnp.argmin(d, axis=1)
    z_q = jnp.take(embedding_weight, min_encoding_indices, axis=0).reshape(zp.shape)
    # eval-mode path (no EMA buffer updates)
    loss = jnp.mean((jax.lax.stop_gradient(z_q) - zp) ** 2) + BETA * jnp.mean(
        (z_q - jax.lax.stop_gradient(zp)) ** 2
    )
    # straight-through estimator
    z_q_st = zp + jax.lax.stop_gradient(z_q - zp)
    z_q_out = jnp.transpose(z_q_st, (0, 3, 1, 2))
    return z_q_out, loss, min_encoding_indices

if __name__ == "__main__":
    import jax
    _d = setup_inputs()
    print(jax.jit(kernel)(*tuple(_d.values())))

</pallas_src>

<mosaic_0001>
#map = affine_map<(d0, d1) -> (0, 0)>
#map1 = affine_map<(d0, d1) -> (0)>
module attributes {stable_mosaic.version = 14 : i64} {
  func.func @_gather_rows(%arg0: i32, %arg1: i32, %arg2: memref<8192x256xf32, #tpu.memory_space<hbm>>, %arg3: memref<8192xi32, #tpu.memory_space<hbm>>, %arg4: memref<8192x256xf32, #tpu.memory_space<hbm>>, %arg5: memref<256xi32, #tpu.memory_space<vmem>>, %arg6: memref<128x256xf32, #tpu.memory_space<vmem>>, %arg7: memref<128x256xf32, #tpu.memory_space<vmem>>, %arg8: memref<!tpu.dma_semaphore, #tpu.memory_space<semaphore_mem>>, %arg9: memref<!tpu.dma_semaphore, #tpu.memory_space<semaphore_mem>>) attributes {dimension_semantics = [#tpu.dimension_semantics<core_parallel>, #tpu.dimension_semantics<subcore_parallel>], iteration_bounds = array<i64: 2, 16>, scalar_prefetch = 0 : i64, scratch_operands = 5 : i64, tpu.core_type = #tpu.core_type<sc_vector_subcore>, window_params = [{transform_indices = #map}, {transform_indices = #map1}, {transform_indices = #map}]} {
    %mul3A = arith.constant 2 : i32
    %mul3A_0 = arith.muli %arg1, %mul3A : i32
    %add3A = arith.addi %mul3A_0, %arg0 : i32
    %mul3A_1 = arith.constant 256 : i32
    %mul3A_2 = arith.muli %add3A, %mul3A_1 : i32
    "tpu.region"() ({
      %run_scoped3A = tpu.sem_alloc : memref<!tpu.dma_semaphore, #tpu.memory_space<semaphore_mem>>
      %dma_start3A_25 = tpu.memref_slice %arg3[%mul3A_2] : memref<8192xi32, #tpu.memory_space<hbm>> -> memref<256xi32, #tpu.memory_space<hbm>>
      %dma_start3A_26 = tpu.memref_slice %arg3[%mul3A_2] : memref<8192xi32, #tpu.memory_space<hbm>> -> memref<256xi32, #tpu.memory_space<hbm>>
      tpu.enqueue_dma source(%dma_start3A_26 : memref<256xi32, #tpu.memory_space<hbm>>) target(%arg5 : memref<256xi32, #tpu.memory_space<vmem>>) target_semaphore(%run_scoped3A : memref<!tpu.dma_semaphore, #tpu.memory_space<semaphore_mem>>)
      %dma_wait3A_27 = tpu.memref_slice %arg3[%mul3A_2] : memref<8192xi32, #tpu.memory_space<hbm>> -> memref<256xi32, #tpu.memory_space<hbm>>
      %dma_wait3A_28 = tpu.memref_slice %arg3[%mul3A_2] : memref<8192xi32, #tpu.memory_space<hbm>> -> memref<256xi32, #tpu.memory_space<hbm>>
      tpu.wait_dma2 semaphore(%run_scoped3A : memref<!tpu.dma_semaphore, #tpu.memory_space<semaphore_mem>>) src(%dma_wait3A_28 : memref<256xi32, #tpu.memory_space<hbm>>) dst(%arg5 : memref<256xi32, #tpu.memory_space<vmem>>)
      tpu.yield
    }) : () -> ()
    %dma_start3A = arith.constant 0 : i32
    %dma_start3A_3 = tpu.memref_slice %arg5[%dma_start3A] : memref<256xi32, #tpu.memory_space<vmem>> -> memref<128xi32, #tpu.memory_space<vmem>>
    %dma_start3A_4 = arith.constant 0 : i32
    %dma_start3A_5 = arith.constant 0 : i32
    %dma_start3A_6 = tpu.memref_slice %arg2[%dma_start3A_4, %dma_start3A_5] : memref<8192x256xf32, #tpu.memory_space<hbm>> -> memref<8192x256xf32, #tpu.memory_space<hbm>>
    tpu.enqueue_indirect_dma source(%dma_start3A_6 : memref<8192x256xf32, #tpu.memory_space<hbm>>) target(%arg6 : memref<128x256xf32, #tpu.memory_space<vmem>>) offsets(%dma_start3A_3 : memref<128xi32, #tpu.memory_space<vmem>>) semaphore(%arg8 : memref<!tpu.dma_semaphore, #tpu.memory_space<semaphore_mem>>)
    %dma_start3A_7 = arith.constant 128 : i32
    %dma_start3A_8 = tpu.memref_slice %arg5[%dma_start3A_7] : memref<256xi32, #tpu.memory_space<vmem>> -> memref<128xi32, #tpu.memory_space<vmem>>
    %dma_start3A_9 = arith.constant 0 : i32
    %dma_start3A_10 = arith.constant 0 : i32
    %dma_start3A_11 = tpu.memref_slice %arg2[%dma_start3A_9, %dma_start3A_10] : memref<8192x256xf32, #tpu.memory_space<hbm>> -> memref<8192x256xf32, #tpu.memory_space<hbm>>
    tpu.enqueue_indirect_dma source(%dma_start3A_11 : memref<8192x256xf32, #tpu.memory_space<hbm>>) target(%arg7 : memref<128x256xf32, #tpu.memory_space<vmem>>) offsets(%dma_start3A_8 : memref<128xi32, #tpu.memory_space<vmem>>) semaphore(%arg9 : memref<!tpu.dma_semaphore, #tpu.memory_space<semaphore_mem>>)
    %dma_wait3A = arith.constant 0 : i32
    %dma_wait3A_12 = tpu.memref_slice %arg5[%dma_wait3A] : memref<256xi32, #tpu.memory_space<vmem>> -> memref<128xi32, #tpu.memory_space<vmem>>
    %dma_wait3A_13 = arith.constant 0 : i32
    %dma_wait3A_14 = arith.constant 0 : i32
    %dma_wait3A_15 = tpu.memref_slice %arg2[%dma_wait3A_13, %dma_wait3A_14] : memref<8192x256xf32, #tpu.memory_space<hbm>> -> memref<8192x256xf32, #tpu.memory_space<hbm>>
    tpu.wait_indirect_dma semaphore(%arg8 : memref<!tpu.dma_semaphore, #tpu.memory_space<semaphore_mem>>) src(%dma_wait3A_15 : memref<8192x256xf32, #tpu.memory_space<hbm>>) dst(%arg6 : memref<128x256xf32, #tpu.memory_space<vmem>>)
    %add3A_16 = arith.constant 0 : i32
    %add3A_17 = arith.addi %mul3A_2, %add3A_16 : i32
    "tpu.region"() ({
      %run_scoped3A = tpu.sem_alloc : memref<!tpu.dma_semaphore, #tpu.memory_space<semaphore_mem>>
      %dma_start3A_25 = arith.constant 0 : i32
      %dma_start3A_26 = tpu.memref_slice %arg4[%add3A_17, %dma_start3A_25] : memref<8192x256xf32, #tpu.memory_space<hbm>> -> memref<128x256xf32, #tpu.memory_space<hbm>>
      %dma_start3A_27 = arith.constant 0 : i32
      %dma_start3A_28 = tpu.memref_slice %arg4[%add3A_17, %dma_start3A_27] : memref<8192x256xf32, #tpu.memory_space<hbm>> -> memref<128x256xf32, #tpu.memory_space<hbm>>
      tpu.enqueue_dma source(%arg6 : memref<128x256xf32, #tpu.memory_space<vmem>>) target(%dma_start3A_28 : memref<128x256xf32, #tpu.memory_space<hbm>>) target_semaphore(%run_scoped3A : memref<!tpu.dma_semaphore, #tpu.memory_space<semaphore_mem>>)
      %dma_wait3A_29 = arith.constant 0 : i32
      %dma_wait3A_30 = tpu.memref_slice %arg4[%add3A_17, %dma_wait3A_29] : memref<8192x256xf32, #tpu.memory_space<hbm>> -> memref<128x256xf32, #tpu.memory_space<hbm>>
      %dma_wait3A_31 = arith.constant 0 : i32
      %dma_wait3A_32 = tpu.memref_slice %arg4[%add3A_17, %dma_wait3A_31] : memref<8192x256xf32, #tpu.memory_space<hbm>> -> memref<128x256xf32, #tpu.memory_space<hbm>>
      tpu.wait_dma2 semaphore(%run_scoped3A : memref<!tpu.dma_semaphore, #tpu.memory_space<semaphore_mem>>) src(%arg6 : memref<128x256xf32, #tpu.memory_space<vmem>>) dst(%dma_wait3A_32 : memref<128x256xf32, #tpu.memory_space<hbm>>)
      tpu.yield
    }) : () -> ()
    %dma_wait3A_18 = arith.constant 128 : i32
    %dma_wait3A_19 = tpu.memref_slice %arg5[%dma_wait3A_18] : memref<256xi32, #tpu.memory_space<vmem>> -> memref<128xi32, #tpu.memory_space<vmem>>
    %dma_wait3A_20 = arith.constant 0 : i32
    %dma_wait3A_21 = arith.constant 0 : i32
    %dma_wait3A_22 = tpu.memref_slice %arg2[%dma_wait3A_20, %dma_wait3A_21] : memref<8192x256xf32, #tpu.memory_space<hbm>> -> memref<8192x256xf32, #tpu.memory_space<hbm>>
    tpu.wait_indirect_dma semaphore(%arg9 : memref<!tpu.dma_semaphore, #tpu.memory_space<semaphore_mem>>) src(%dma_wait3A_22 : memref<8192x256xf32, #tpu.memory_space<hbm>>) dst(%arg7 : memref<128x256xf32, #tpu.memory_space<vmem>>)
    %add3A_23 = arith.constant 128 : i32
    %add3A_24 = arith.addi %mul3A_2, %add3A_23 : i32
    "tpu.region"() ({
      %run_scoped3A = tpu.sem_alloc : memref<!tpu.dma_semaphore, #tpu.memory_space<semaphore_mem>>
      %dma_start3A_25 = arith.constant 0 : i32
      %dma_start3A_26 = tpu.memref_slice %arg4[%add3A_24, %dma_start3A_25] : memref<8192x256xf32, #tpu.memory_space<hbm>> -> memref<128x256xf32, #tpu.memory_space<hbm>>
      %dma_start3A_27 = arith.constant 0 : i32
      %dma_start3A_28 = tpu.memref_slice %arg4[%add3A_24, %dma_start3A_27] : memref<8192x256xf32, #tpu.memory_space<hbm>> -> memref<128x256xf32, #tpu.memory_space<hbm>>
      tpu.enqueue_dma source(%arg7 : memref<128x256xf32, #tpu.memory_space<vmem>>) target(%dma_start3A_28 : memref<128x256xf32, #tpu.memory_space<hbm>>) target_semaphore(%run_scoped3A : memref<!tpu.dma_semaphore, #tpu.memory_space<semaphore_mem>>)
      %dma_wait3A_29 = arith.constant 0 : i32
      %dma_wait3A_30 = tpu.memref_slice %arg4[%add3A_24, %dma_wait3A_29] : memref<8192x256xf32, #tpu.memory_space<hbm>> -> memref<128x256xf32, #tpu.memory_space<hbm>>
      %dma_wait3A_31 = arith.constant 0 : i32
      %dma_wait3A_32 = tpu.memref_slice %arg4[%add3A_24, %dma_wait3A_31] : memref<8192x256xf32, #tpu.memory_space<hbm>> -> memref<128x256xf32, #tpu.memory_space<hbm>>
      tpu.wait_dma2 semaphore(%run_scoped3A : memref<!tpu.dma_semaphore, #tpu.memory_space<semaphore_mem>>) src(%arg7 : memref<128x256xf32, #tpu.memory_space<vmem>>) dst(%dma_wait3A_32 : memref<128x256xf32, #tpu.memory_space<hbm>>)
      tpu.yield
    }) : () -> ()
    return
  }
}

#map = affine_map<(d0, d1) -> (0, 0)>
#map1 = affine_map<(d0, d1) -> (0)>
module attributes {stable_mosaic.version = 14 : i64} {
  func.func @_gather_rows(%arg0: i32, %arg1: i32, %arg2: memref<8192x256xf32, #tpu.memory_space<hbm>>, %arg3: memref<8192xi32, #tpu.memory_space<hbm>>, %arg4: memref<8192x256xf32, #tpu.memory_space<hbm>>, %arg5: memref<256xi32, #tpu.memory_space<vmem>>, %arg6: memref<128x256xf32, #tpu.memory_space<vmem>>, %arg7: memref<128x256xf32, #tpu.memory_space<vmem>>, %arg8: memref<!tpu.dma_semaphore, #tpu.memory_space<semaphore_mem>>, %arg9: memref<!tpu.dma_semaphore, #tpu.memory_space<semaphore_mem>>) attributes {dimension_semantics = [#tpu.dimension_semantics<core_parallel>, #tpu.dimension_semantics<subcore_parallel>], iteration_bounds = array<i64: 2, 16>, scalar_prefetch = 0 : i64, scratch_operands = 5 : i64, tpu.core_type = #tpu.core_type<sc_vector_subcore>, window_params = [{transform_indices = #map}, {transform_indices = #map1}, {transform_indices = #map}]} {
    %mul3A = arith.constant 2 : i32
    %mul3A_0 = arith.muli %arg1, %mul3A : i32
    %add3A = arith.addi %mul3A_0, %arg0 : i32
    %mul3A_1 = arith.constant 256 : i32
    %mul3A_2 = arith.muli %add3A, %mul3A_1 : i32
    "tpu.region"() ({
      %run_scoped3A = tpu.sem_alloc : memref<!tpu.dma_semaphore, #tpu.memory_space<semaphore_mem>>
      %dma_start3A_25 = tpu.memref_slice %arg3[%mul3A_2] : memref<8192xi32, #tpu.memory_space<hbm>> -> memref<256xi32, #tpu.memory_space<hbm>>
      %dma_start3A_26 = tpu.memref_slice %arg3[%mul3A_2] : memref<8192xi32, #tpu.memory_space<hbm>> -> memref<256xi32, #tpu.memory_space<hbm>>
      tpu.enqueue_dma source(%dma_start3A_26 : memref<256xi32, #tpu.memory_space<hbm>>) target(%arg5 : memref<256xi32, #tpu.memory_space<vmem>>) target_semaphore(%run_scoped3A : memref<!tpu.dma_semaphore, #tpu.memory_space<semaphore_mem>>)
      %dma_wait3A_27 = tpu.memref_slice %arg3[%mul3A_2] : memref<8192xi32, #tpu.memory_space<hbm>> -> memref<256xi32, #tpu.memory_space<hbm>>
      %dma_wait3A_28 = tpu.memref_slice %arg3[%mul3A_2] : memref<8192xi32, #tpu.memory_space<hbm>> -> memref<256xi32, #tpu.memory_space<hbm>>
      tpu.wait_dma2 semaphore(%run_scoped3A : memref<!tpu.dma_semaphore, #tpu.memory_space<semaphore_mem>>) src(%dma_wait3A_28 : memref<256xi32, #tpu.memory_space<hbm>>) dst(%arg5 : memref<256xi32, #tpu.memory_space<vmem>>)
      tpu.yield
    }) : () -> ()
    %dma_start3A = arith.constant 0 : i32
    %dma_start3A_3 = tpu.memref_slice %arg5[%dma_start3A] : memref<256xi32, #tpu.memory_space<vmem>> -> memref<128xi32, #tpu.memory_space<vmem>>
    %dma_start3A_4 = arith.constant 0 : i32
    %dma_start3A_5 = arith.constant 0 : i32
    %dma_start3A_6 = tpu.memref_slice %arg2[%dma_start3A_4, %dma_start3A_5] : memref<8192x256xf32, #tpu.memory_space<hbm>> -> memref<8192x256xf32, #tpu.memory_space<hbm>>
    tpu.enqueue_indirect_dma source(%dma_start3A_6 : memref<8192x256xf32, #tpu.memory_space<hbm>>) target(%arg6 : memref<128x256xf32, #tpu.memory_space<vmem>>) offsets(%dma_start3A_3 : memref<128xi32, #tpu.memory_space<vmem>>) semaphore(%arg8 : memref<!tpu.dma_semaphore, #tpu.memory_space<semaphore_mem>>)
    %dma_start3A_7 = arith.constant 128 : i32
    %dma_start3A_8 = tpu.memref_slice %arg5[%dma_start3A_7] : memref<256xi32, #tpu.memory_space<vmem>> -> memref<128xi32, #tpu.memory_space<vmem>>
    %dma_start3A_9 = arith.constant 0 : i32
    %dma_start3A_10 = arith.constant 0 : i32
    %dma_start3A_11 = tpu.memref_slice %arg2[%dma_start3A_9, %dma_start3A_10] : memref<8192x256xf32, #tpu.memory_space<hbm>> -> memref<8192x256xf32, #tpu.memory_space<hbm>>
    tpu.enqueue_indirect_dma source(%dma_start3A_11 : memref<8192x256xf32, #tpu.memory_space<hbm>>) target(%arg7 : memref<128x256xf32, #tpu.memory_space<vmem>>) offsets(%dma_start3A_8 : memref<128xi32, #tpu.memory_space<vmem>>) semaphore(%arg9 : memref<!tpu.dma_semaphore, #tpu.memory_space<semaphore_mem>>)
    %dma_wait3A = arith.constant 0 : i32
    %dma_wait3A_12 = tpu.memref_slice %arg5[%dma_wait3A] : memref<256xi32, #tpu.memory_space<vmem>> -> memref<128xi32, #tpu.memory_space<vmem>>
    %dma_wait3A_13 = arith.constant 0 : i32
    %dma_wait3A_14 = arith.constant 0 : i32
    %dma_wait3A_15 = tpu.memref_slice %arg2[%dma_wait3A_13, %dma_wait3A_14] : memref<8192x256xf32, #tpu.memory_space<hbm>> -> memref<8192x256xf32, #tpu.memory_space<hbm>>
    tpu.wait_indirect_dma semaphore(%arg8 : memref<!tpu.dma_semaphore, #tpu.memory_space<semaphore_mem>>) src(%dma_wait3A_15 : memref<8192x256xf32, #tpu.memory_space<hbm>>) dst(%arg6 : memref<128x256xf32, #tpu.memory_space<vmem>>)
    %add3A_16 = arith.constant 0 : i32
    %add3A_17 = arith.addi %mul3A_2, %add3A_16 : i32
    "tpu.region"() ({
      %run_scoped3A = tpu.sem_alloc : memref<!tpu.dma_semaphore, #tpu.memory_space<semaphore_mem>>
      %dma_start3A_25 = arith.constant 0 : i32
      %dma_start3A_26 = tpu.memref_slice %arg4[%add3A_17, %dma_start3A_25] : memref<8192x256xf32, #tpu.memory_space<hbm>> -> memref<128x256xf32, #tpu.memory_space<hbm>>
      %dma_start3A_27 = arith.constant 0 : i32
      %dma_start3A_28 = tpu.memref_slice %arg4[%add3A_17, %dma_start3A_27] : memref<8192x256xf32, #tpu.memory_space<hbm>> -> memref<128x256xf32, #tpu.memory_space<hbm>>
      tpu.enqueue_dma source(%arg6 : memref<128x256xf32, #tpu.memory_space<vmem>>) target(%dma_start3A_28 : memref<128x256xf32, #tpu.memory_space<hbm>>) target_semaphore(%run_scoped3A : memref<!tpu.dma_semaphore, #tpu.memory_space<semaphore_mem>>)
      %dma_wait3A_29 = arith.constant 0 : i32
      %dma_wait3A_30 = tpu.memref_slice %arg4[%add3A_17, %dma_wait3A_29] : memref<8192x256xf32, #tpu.memory_space<hbm>> -> memref<128x256xf32, #tpu.memory_space<hbm>>
      %dma_wait3A_31 = arith.constant 0 : i32
      %dma_wait3A_32 = tpu.memref_slice %arg4[%add3A_17, %dma_wait3A_31] : memref<8192x256xf32, #tpu.memory_space<hbm>> -> memref<128x256xf32, #tpu.memory_space<hbm>>
      tpu.wait_dma2 semaphore(%run_scoped3A : memref<!tpu.dma_semaphore, #tpu.memory_space<semaphore_mem>>) src(%arg6 : memref<128x256xf32, #tpu.memory_space<vmem>>) dst(%dma_wait3A_32 : memref<128x256xf32, #tpu.memory_space<hbm>>)
      tpu.yield
    }) : () -> ()
    %dma_wait3A_18 = arith.constant 128 : i32
    %dma_wait3A_19 = tpu.memref_slice %arg5[%dma_wait3A_18] : memref<256xi32, #tpu.memory_space<vmem>> -> memref<128xi32, #tpu.memory_space<vmem>>
    %dma_wait3A_20 = arith.constant 0 : i32
    %dma_wait3A_21 = arith.constant 0 : i32
    %dma_wait3A_22 = tpu.memref_slice %arg2[%dma_wait3A_20, %dma_wait3A_21] : memref<8192x256xf32, #tpu.memory_space<hbm>> -> memref<8192x256xf32, #tpu.memory_space<hbm>>
    tpu.wait_indirect_dma semaphore(%arg9 : memref<!tpu.dma_semaphore, #tpu.memory_space<semaphore_mem>>) src(%dma_wait3A_22 : memref<8192x256xf32, #tpu.memory_space<hbm>>) dst(%arg7 : memref<128x256xf32, #tpu.memory_space<vmem>>)
    %add3A_23 = arith.constant 128 : i32
    %add3A_24 = arith.addi %mul3A_2, %add3A_23 : i32
    "tpu.region"() ({
      %run_scoped3A = tpu.sem_alloc : memref<!tpu.dma_semaphore, #tpu.memory_space<semaphore_mem>>
      %dma_start3A_25 = arith.constant 0 : i32
      %dma_start3A_26 = tpu.memref_slice %arg4[%add3A_24, %dma_start3A_25] : memref<8192x256xf32, #tpu.memory_space<hbm>> -> memref<128x256xf32, #tpu.memory_space<hbm>>
      %dma_start3A_27 = arith.constant 0 : i32
      %dma_start3A_28 = tpu.memref_slice %arg4[%add3A_24, %dma_start3A_27] : memref<8192x256xf32, #tpu.memory_space<hbm>> -> memref<128x256xf32, #tpu.memory_space<hbm>>
      tpu.enqueue_dma source(%arg7 : memref<128x256xf32, #tpu.memory_space<vmem>>) target(%dma_start3A_28 : memref<128x256xf32, #tpu.memory_space<hbm>>) target_semaphore(%run_scoped3A : memref<!tpu.dma_semaphore, #tpu.memory_space<semaphore_mem>>)
      %dma_wait3A_29 = arith.constant 0 : i32
      %dma_wait3A_30 = tpu.memref_slice %arg4[%add3A_24, %dma_wait3A_29] : memref<8192x256xf32, #tpu.memory_space<hbm>> -> memref<128x256xf32, #tpu.memory_space<hbm>>
      %dma_wait3A_31 = arith.constant 0 : i32
      %dma_wait3A_32 = tpu.memref_slice %arg4[%add3A_24, %dma_wait3A_31] : memref<8192x256xf32, #tpu.memory_space<hbm>> -> memref<128x256xf32, #tpu.memory_space<hbm>>
      tpu.wait_dma2 semaphore(%run_scoped3A : memref<!tpu.dma_semaphore, #tpu.memory_space<semaphore_mem>>) src(%arg7 : memref<128x256xf32, #tpu.memory_space<vmem>>) dst(%dma_wait3A_32 : memref<128x256xf32, #tpu.memory_space<hbm>>)
      tpu.yield
    }) : () -> ()
    return
  }
}

module attributes {stable_mosaic.version = 14 : i64} {
  func.func @_argmin_body(%arg0: i32, %arg1: memref<2x256x1024xf32, #tpu.memory_space<vmem>>, %arg2: memref<1x1x2048xf32, #tpu.memory_space<vmem>>, %arg3: memref<8192x256xbf16, #tpu.memory_space<vmem>>, %arg4: memref<1x1x2048xi32, #tpu.memory_space<vmem>>, %arg5: memref<1x1xf32, #tpu.memory_space<vmem>>) attributes {dimension_semantics = [#tpu.dimension_semantics<arbitrary>], iteration_bounds = array<i64: 4>, scalar_prefetch = 0 : i64, scratch_operands = 0 : i64, tpu.core_type = #tpu.core_type<tc>, window_params = [{transform_indices = @transform_0, window_bounds = array<i64: 2, 256, 1024>}, {transform_indices = @transform_1, window_bounds = array<i64: 1, 1, 2048>}, {pipeline_mode = #tpu.pipeline_mode<synchronous>, transform_indices = @transform_2, window_bounds = array<i64: 8192, 256>}, {transform_indices = @transform_3, window_bounds = array<i64: 1, 1, 2048>}, {pipeline_mode = #tpu.pipeline_mode<synchronous>, transform_indices = @transform_4, window_bounds = array<i64: 1, 1>}]} {
    %get3A = arith.constant 0 : index
    %get3A_0 = arith.constant 0 : index
    %get3A_1 = arith.constant 0 : index
    %get3A_2 = vector.load %arg1[%get3A, %get3A_0, %get3A_1] : memref<2x256x1024xf32, #tpu.memory_space<vmem>>, vector<1x256x1024xf32>
    %get3A_3 = vector.shape_cast %get3A_2 : vector<1x256x1024xf32> to vector<256x1024xf32>
    %get3A_4 = arith.constant 1 : index
    %get3A_5 = arith.constant 0 : index
    %get3A_6 = arith.constant 0 : index
    %get3A_7 = vector.load %arg1[%get3A_4, %get3A_5, %get3A_6] : memref<2x256x1024xf32, #tpu.memory_space<vmem>>, vector<1x256x1024xf32>
    %get3A_8 = vector.shape_cast %get3A_7 : vector<1x256x1024xf32> to vector<256x1024xf32>
    %concatenate3A = tpu.concatenate %get3A_3, %get3A_8 in 1 : vector<256x1024xf32>, vector<256x1024xf32> -> vector<256x2048xf32>
    %convert_element_type3A = arith.truncf %concatenate3A : vector<256x2048xf32> to vector<256x2048xbf16>
    %get3A_9 = arith.constant 0 : index
    %get3A_10 = arith.constant 0 : index
    %get3A_11 = arith.constant 0 : index
    %get3A_12 = vector.load %arg2[%get3A_9, %get3A_10, %get3A_11] : memref<1x1x2048xf32, #tpu.memory_space<vmem>>, vector<1x1x2048xf32>
    %get3A_13 = vector.shape_cast %get3A_12 : vector<1x1x2048xf32> to vector<1x2048xf32>
    %iota3A = tpu.iota {dimensions = array<i32: 0>} : vector<1024x1xi32>
    %convert_element_type3A_14 = arith.sitofp %iota3A : vector<1024x1xi32> to vector<1024x1xf32>
    %iota3A_15 = tpu.iota {dimensions = array<i32: 0>} : vector<688x1xi32>
    %convert_element_type3A_16 = arith.sitofp %iota3A_15 : vector<688x1xi32> to vector<688x1xf32>
    %iota3A_17 = tpu.iota {dimensions = array<i32: 0>} : vector<672x1xi32>
    %convert_element_type3A_18 = arith.sitofp %iota3A_17 : vector<672x1xi32> to vector<672x1xf32>
    %broadcast_in_dim3A = arith.constant 0x7F800000 : f32
    %broadcast_in_dim3A_19 = vector.broadcast %broadcast_in_dim3A : f32 to vector<1x2048xf32>
    %broadcast_in_dim3A_20 = arith.constant 0 : i32
    %broadcast_in_dim3A_21 = vector.broadcast %broadcast_in_dim3A_20 : i32 to vector<1x2048xi32>
    %broadcast_in_dim3A_22 = arith.constant 0x7F800000 : f32
    %broadcast_in_dim3A_23 = vector.broadcast %broadcast_in_dim3A_22 : f32 to vector<1x2048xf32>
    %broadcast_in_dim3A_24 = arith.constant 0 : i32
    %broadcast_in_dim3A_25 = vector.broadcast %broadcast_in_dim3A_24 : i32 to vector<1x2048xi32>
    %broadcast_in_dim3A_26 = arith.constant 0x7F800000 : f32
    %broadcast_in_dim3A_27 = vector.broadcast %broadcast_in_dim3A_26 : f32 to vector<1x2048xf32>
    %broadcast_in_dim3A_28 = arith.constant 0 : i32
    %broadcast_in_dim3A_29 = vector.broadcast %broadcast_in_dim3A_28 : i32 to vector<1x2048xi32>
    %get3A_30 = arith.constant 0 : index
    %get3A_31 = arith.constant 0 : index
    %get3A_32 = vector.load %arg3[%get3A_30, %get3A_31] : memref<8192x256xbf16, #tpu.memory_space<vmem>>, vector<1024x256xbf16>
    %dot_general3A = arith.constant dense<0.000000e+00> : vector<1024x2048xf32>
    %dot_general3A_33 = tpu.matmul %get3A_32, %convert_element_type3A, %dot_general3A {dimension_numbers = #tpu.dot_dimension_numbers<[1], [0], [0], [1], [0, 0, 1, 1], [], []>, transpose_lhs_hint = false} : vector<1024x256xbf16>, vector<256x2048xbf16>, vector<1024x2048xf32> -> vector<1024x2048xf32>
    %get3A_34 = arith.constant 1024 : index
    %get3A_35 = arith.constant 0 : index
    %get3A_36 = vector.load %arg3[%get3A_34, %get3A_35] : memref<8192x256xbf16, #tpu.memory_space<vmem>>, vector<1024x256xbf16>
    %dot_general3A_37 = arith.constant dense<0.000000e+00> : vector<1024x2048xf32>
    %dot_general3A_38 = tpu.matmul %get3A_36, %convert_element_type3A, %dot_general3A_37 {dimension_numbers = #tpu.dot_dimension_numbers<[1], [0], [0], [1], [0, 0, 1, 1], [], []>, transpose_lhs_hint = false} : vector<1024x256xbf16>, vector<256x2048xbf16>, vector<1024x2048xf32> -> vector<1024x2048xf32>
    %reduce_max3A = arith.constant dense<0xFF800000> : vector<2048xf32>
    %reduce_max3A_39 = vector.multi_reduction <maximumf>, %dot_general3A_33, %reduce_max3A [0] : vector<1024x2048xf32> to vector<2048xf32>
    %broadcast_in_dim3A_40 = vector.shape_cast %reduce_max3A_39 : vector<2048xf32> to vector<1x2048xf32>
    %sub3A = arith.subf %get3A_13, %broadcast_in_dim3A_40 : vector<1x2048xf32>
    %bitcast_convert_type3A = tpu.bitcast %sub3A : vector<1x2048xf32> -> vector<1x2048xi32>
    %add3A = arith.constant 1 : i32
    %add3A_41 = vector.broadcast %add3A : i32 to vector<1x2048xi32>
    %add3A_42 = arith.addi %bitcast_convert_type3A, %add3A_41 : vector<1x2048xi32>
    %bitcast_convert_type3A_43 = tpu.bitcast %add3A_42 : vector<1x2048xi32> -> vector<1x2048xf32>
    %sub3A_44 = arith.subf %bitcast_convert_type3A_43, %sub3A : vector<1x2048xf32>
    %sub3A_45 = arith.subf %get3A_13, %sub3A : vector<1x2048xf32>
    %mul3A = arith.constant 5.000000e-01 : f32
    %mul3A_46 = vector.broadcast %mul3A : f32 to vector<1x2048xf32>
    %mul3A_47 = arith.mulf %mul3A_46, %sub3A_44 : vector<1x2048xf32>
    %sub3A_48 = arith.subf %sub3A_45, %mul3A_47 : vector<1x2048xf32>
    %and3A = arith.constant 1 : i32
    %and3A_49 = vector.broadcast %and3A : i32 to vector<1x2048xi32>
    %and3A_50 = arith.andi %bitcast_convert_type3A, %and3A_49 : vector<1x2048xi32>
    %eq3A = arith.constant 0 : i32
    %eq3A_51 = vector.broadcast %eq3A : i32 to vector<1x2048xi32>
    %eq3A_52 = arith.cmpi eq, %and3A_50, %eq3A_51 : vector<1x2048xi32>
    %bitcast_convert_type3A_53 = tpu.bitcast %sub3A_48 : vector<1x2048xf32> -> vector<1x2048xi32>
    %add3A_54 = arith.constant 1 : i32
    %add3A_55 = vector.broadcast %add3A_54 : i32 to vector<1x2048xi32>
    %add3A_56 = arith.addi %bitcast_convert_type3A_53, %add3A_55 : vector<1x2048xi32>
    %bitcast_convert_type3A_57 = tpu.bitcast %add3A_56 : vector<1x2048xi32> -> vector<1x2048xf32>
    %select_n3A = arith.select %eq3A_52, %sub3A_48, %bitcast_convert_type3A_57 : vector<1x2048xi1>, vector<1x2048xf32>
    %ge3A = vector.broadcast %select_n3A : vector<1x2048xf32> to vector<1024x2048xf32>
    %ge3A_58 = arith.cmpf oge, %dot_general3A_33, %ge3A : vector<1024x2048xf32>
    %jit3A = arith.constant 1.07374182E+9 : f32
    %broadcast_in_dim3A_59 = vector.shape_cast %convert_element_type3A_14 : vector<1024x1xf32> to vector<1024x1xf32>
    %broadcast_in_dim3A_60 = vector.broadcast %broadcast_in_dim3A_59 : vector<1024x1xf32> to vector<1024x2048xf32>
    %broadcast_in_dim3A_61 = vector.broadcast %jit3A : f32 to vector<1024x2048xf32>
    %select_n3A_62 = arith.select %ge3A_58, %broadcast_in_dim3A_60, %broadcast_in_dim3A_61 : vector<1024x2048xi1>, vector<1024x2048xf32>
    %reduce_min3A = arith.constant dense<0x7F800000> : vector<2048xf32>
    %reduce_min3A_63 = vector.multi_reduction <minimumf>, %select_n3A_62, %reduce_min3A [0] : vector<1024x2048xf32> to vector<2048xf32>
    %broadcast_in_dim3A_64 = vector.shape_cast %reduce_min3A_63 : vector<2048xf32> to vector<1x2048xf32>
    %convert_element_type3A_65 = arith.fptosi %broadcast_in_dim3A_64 : vector<1x2048xf32> to vector<1x2048xi32>
    %add3A_66 = arith.constant 0 : i32
    %add3A_67 = vector.broadcast %add3A_66 : i32 to vector<1x2048xi32>
    %add3A_68 = arith.addi %convert_element_type3A_65, %add3A_67 : vector<1x2048xi32>
    %lt3A = arith.cmpf olt, %sub3A, %broadcast_in_dim3A_19 : vector<1x2048xf32>
    %select_n3A_69 = arith.select %lt3A, %sub3A, %broadcast_in_dim3A_19 : vector<1x2048xi1>, vector<1x2048xf32>
    %select_n3A_70 = arith.select %lt3A, %add3A_68, %broadcast_in_dim3A_21 : vector<1x2048xi1>, vector<1x2048xi32>
    %get3A_71 = arith.constant 2048 : index
    %get3A_72 = arith.constant 0 : index
    %get3A_73 = vector.load %arg3[%get3A_71, %get3A_72] : memref<8192x256xbf16, #tpu.memory_space<vmem>>, vector<688x256xbf16>
    %dot_general3A_74 = arith.constant dense<0.000000e+00> : vector<688x2048xf32>
    %dot_general3A_75 = tpu.matmul %get3A_73, %convert_element_type3A, %dot_general3A_74 {dimension_numbers = #tpu.dot_dimension_numbers<[1], [0], [0], [1], [0, 0, 1, 1], [], []>, transpose_lhs_hint = false} : vector<688x256xbf16>, vector<256x2048xbf16>, vector<688x2048xf32> -> vector<688x2048xf32>
    %reduce_max3A_76 = arith.constant dense<0xFF800000> : vector<2048xf32>
    %reduce_max3A_77 = vector.multi_reduction <maximumf>, %dot_general3A_38, %reduce_max3A_76 [0] : vector<1024x2048xf32> to vector<2048xf32>
    %broadcast_in_dim3A_78 = vector.shape_cast %reduce_max3A_77 : vector<2048xf32> to vector<1x2048xf32>
    %sub3A_79 = arith.subf %get3A_13, %broadcast_in_dim3A_78 : vector<1x2048xf32>
    %bitcast_convert_type3A_80 = tpu.bitcast %sub3A_79 : vector<1x2048xf32> -> vector<1x2048xi32>
    %add3A_81 = arith.constant 1 : i32
    %add3A_82 = vector.broadcast %add3A_81 : i32 to vector<1x2048xi32>
    %add3A_83 = arith.addi %bitcast_convert_type3A_80, %add3A_82 : vector<1x2048xi32>
    %bitcast_convert_type3A_84 = tpu.bitcast %add3A_83 : vector<1x2048xi32> -> vector<1x2048xf32>
    %sub3A_85 = arith.subf %bitcast_convert_type3A_84, %sub3A_79 : vector<1x2048xf32>
    %sub3A_86 = arith.subf %get3A_13, %sub3A_79 : vector<1x2048xf32>
    %mul3A_87 = arith.constant 5.000000e-01 : f32
    %mul3A_88 = vector.broadcast %mul3A_87 : f32 to vector<1x2048xf32>
    %mul3A_89 = arith.mulf %mul3A_88, %sub3A_85 : vector<1x2048xf32>
    %sub3A_90 = arith.subf %sub3A_86, %mul3A_89 : vector<1x2048xf32>
    %and3A_91 = arith.constant 1 : i32
    %and3A_92 = vector.broadcast %and3A_91 : i32 to vector<1x2048xi32>
    %and3A_93 = arith.andi %bitcast_convert_type3A_80, %and3A_92 : vector<1x2048xi32>
    %eq3A_94 = arith.constant 0 : i32
    %eq3A_95 = vector.broadcast %eq3A_94 : i32 to vector<1x2048xi32>
    %eq3A_96 = arith.cmpi eq, %and3A_93, %eq3A_95 : vector<1x2048xi32>
    %bitcast_convert_type3A_97 = tpu.bitcast %sub3A_90 : vector<1x2048xf32> -> vector<1x2048xi32>
    %add3A_98 = arith.constant 1 : i32
    %add3A_99 = vector.broadcast %add3A_98 : i32 to vector<1x2048xi32>
    %add3A_100 = arith.addi %bitcast_convert_type3A_97, %add3A_99 : vector<1x2048xi32>
    %bitcast_convert_type3A_101 = tpu.bitcast %add3A_100 : vector<1x2048xi32> -> vector<1x2048xf32>
    %select_n3A_102 = arith.select %eq3A_96, %sub3A_90, %bitcast_convert_type3A_101 : vector<1x2048xi1>, vector<1x2048xf32>
    %ge3A_103 = vector.broadcast %select_n3A_102 : vector<1x2048xf32> to vector<1024x2048xf32>
    %ge3A_104 = arith.cmpf oge, %dot_general3A_38, %ge3A_103 : vector<1024x2048xf32>
    %jit3A_105 = arith.constant 1.07374182E+9 : f32
    %broadcast_in_dim3A_106 = vector.shape_cast %convert_element_type3A_14 : vector<1024x1xf32> to vector<1024x1xf32>
    %broadcast_in_dim3A_107 = vector.broadcast %broadcast_in_dim3A_106 : vector<1024x1xf32> to vector<1024x2048xf32>
    %broadcast_in_dim3A_108 = vector.broadcast %jit3A_105 : f32 to vector<1024x2048xf32>
    %select_n3A_109 = arith.select %ge3A_104, %broadcast_in_dim3A_107, %broadcast_in_dim3A_108 : vector<1024x2048xi1>, vector<1024x2048xf32>
    %reduce_min3A_110 = arith.constant dense<0x7F800000> : vector<2048xf32>
    %reduce_min3A_111 = vector.multi_reduction <minimumf>, %select_n3A_109, %reduce_min3A_110 [0] : vector<1024x2048xf32> to vector<2048xf32>
    %broadcast_in_dim3A_112 = vector.shape_cast %reduce_min3A_111 : vector<2048xf32> to vector<1x2048xf32>
    %convert_element_type3A_113 = arith.fptosi %broadcast_in_dim3A_112 : vector<1x2048xf32> to vector<1x2048xi32>
    %add3A_114 = arith.constant 1024 : i32
    %add3A_115 = vector.broadcast %add3A_114 : i32 to vector<1x2048xi32>
    %add3A_116 = arith.addi %convert_element_type3A_113, %add3A_115 : vector<1x2048xi32>
    %lt3A_117 = arith.cmpf olt, %sub3A_79, %select_n3A_69 : vector<1x2048xf32>
    %select_n3A_118 = arith.select %lt3A_117, %sub3A_79, %select_n3A_69 : vector<1x2048xi1>, vector<1x2048xf32>
    %select_n3A_119 = arith.select %lt3A_117, %add3A_116, %select_n3A_70 : vector<1x2048xi1>, vector<1x2048xi32>
    %get3A_120 = arith.constant 2736 : index
    %get3A_121 = arith.constant 0 : index
    %get3A_122 = vector.load %arg3[%get3A_120, %get3A_121] : memref<8192x256xbf16, #tpu.memory_space<vmem>>, vector<1024x256xbf16>
    %dot_general3A_123 = arith.constant dense<0.000000e+00> : vector<1024x2048xf32>
    %dot_general3A_124 = tpu.matmul %get3A_122, %convert_element_type3A, %dot_general3A_123 {dimension_numbers = #tpu.dot_dimension_numbers<[1], [0], [0], [1], [0, 0, 1, 1], [], []>, transpose_lhs_hint = false} : vector<1024x256xbf16>, vector<256x2048xbf16>, vector<1024x2048xf32> -> vector<1024x2048xf32>
    %reduce_max3A_125 = arith.constant dense<0xFF800000> : vector<2048xf32>
    %reduce_max3A_126 = vector.multi_reduction <maximumf>, %dot_general3A_75, %reduce_max3A_125 [0] : vector<688x2048xf32> to vector<2048xf32>
    %broadcast_in_dim3A_127 = vector.shape_cast %reduce_max3A_126 : vector<2048xf32> to vector<1x2048xf32>
    %sub3A_128 = arith.subf %get3A_13, %broadcast_in_dim3A_127 : vector<1x2048xf32>
    %bitcast_convert_type3A_129 = tpu.bitcast %sub3A_128 : vector<1x2048xf32> -> vector<1x2048xi32>
    %add3A_130 = arith.constant 1 : i32
    %add3A_131 = vector.broadcast %add3A_130 : i32 to vector<1x2048xi32>
    %add3A_132 = arith.addi %bitcast_convert_type3A_129, %add3A_131 : vector<1x2048xi32>
    %bitcast_convert_type3A_133 = tpu.bitcast %add3A_132 : vector<1x2048xi32> -> vector<1x2048xf32>
    %sub3A_134 = arith.subf %bitcast_convert_type3A_133, %sub3A_128 : vector<1x2048xf32>
    %sub3A_135 = arith.subf %get3A_13, %sub3A_128 : vector<1x2048xf32>
    %mul3A_136 = arith.constant 5.000000e-01 : f32
    %mul3A_137 = vector.broadcast %mul3A_136 : f32 to vector<1x2048xf32>
    %mul3A_138 = arith.mulf %mul3A_137, %sub3A_134 : vector<1x2048xf32>
    %sub3A_139 = arith.subf %sub3A_135, %mul3A_138 : vector<1x2048xf32>
    %and3A_140 = arith.constant 1 : i32
    %and3A_141 = vector.broadcast %and3A_140 : i32 to vector<1x2048xi32>
    %and3A_142 = arith.andi %bitcast_convert_type3A_129, %and3A_141 : vector<1x2048xi32>
    %eq3A_143 = arith.constant 0 : i32
    %eq3A_144 = vector.broadcast %eq3A_143 : i32 to vector<1x2048xi32>
    %eq3A_145 = arith.cmpi eq, %and3A_142, %eq3A_144 : vector<1x2048xi32>
    %bitcast_convert_type3A_146 = tpu.bitcast %sub3A_139 : vector<1x2048xf32> -> vector<1x2048xi32>
    %add3A_147 = arith.constant 1 : i32
    %add3A_148 = vector.broadcast %add3A_147 : i32 to vector<1x2048xi32>
    %add3A_149 = arith.addi %bitcast_convert_type3A_146, %add3A_148 : vector<1x2048xi32>
    %bitcast_convert_type3A_150 = tpu.bitcast %add3A_149 : vector<1x2048xi32> -> vector<1x2048xf32>
    %select_n3A_151 = arith.select %eq3A_145, %sub3A_139, %bitcast_convert_type3A_150 : vector<1x2048xi1>, vector<1x2048xf32>
    %ge3A_152 = vector.broadcast %select_n3A_151 : vector<1x2048xf32> to vector<688x2048xf32>
    %ge3A_153 = arith.cmpf oge, %dot_general3A_75, %ge3A_152 : vector<688x2048xf32>
    %jit3A_154 = arith.constant 1.07374182E+9 : f32
    %broadcast_in_dim3A_155 = vector.shape_cast %convert_element_type3A_16 : vector<688x1xf32> to vector<688x1xf32>
    %broadcast_in_dim3A_156 = vector.broadcast %broadcast_in_dim3A_155 : vector<688x1xf32> to vector<688x2048xf32>
    %broadcast_in_dim3A_157 = vector.broadcast %jit3A_154 : f32 to vector<688x2048xf32>
    %select_n3A_158 = arith.select %ge3A_153, %broadcast_in_dim3A_156, %broadcast_in_dim3A_157 : vector<688x2048xi1>, vector<688x2048xf32>
    %reduce_min3A_159 = arith.constant dense<0x7F800000> : vector<2048xf32>
    %reduce_min3A_160 = vector.multi_reduction <minimumf>, %select_n3A_158, %reduce_min3A_159 [0] : vector<688x2048xf32> to vector<2048xf32>
    %broadcast_in_dim3A_161 = vector.shape_cast %reduce_min3A_160 : vector<2048xf32> to vector<1x2048xf32>
    %convert_element_type3A_162 = arith.fptosi %broadcast_in_dim3A_161 : vector<1x2048xf32> to vector<1x2048xi32>
    %add3A_163 = arith.constant 2048 : i32
    %add3A_164 = vector.broadcast %add3A_163 : i32 to vector<1x2048xi32>
    %add3A_165 = arith.addi %convert_element_type3A_162, %add3A_164 : vector<1x2048xi32>
    %lt3A_166 = arith.cmpf olt, %sub3A_128, %select_n3A_118 : vector<1x2048xf32>
    %select_n3A_167 = arith.select %lt3A_166, %sub3A_128, %select_n3A_118 : vector<1x2048xi1>, vector<1x2048xf32>
    %select_n3A_168 = arith.select %lt3A_166, %add3A_165, %select_n3A_119 : vector<1x2048xi1>, vector<1x2048xi32>
    %get3A_169 = arith.constant 3760 : index
    %get3A_170 = arith.constant 0 : index
    %get3A_171 = vector.load %arg3[%get3A_169, %get3A_170] : memref<8192x256xbf16, #tpu.memory_space<vmem>>, vector<1024x256xbf16>
    %dot_general3A_172 = arith.constant dense<0.000000e+00> : vector<1024x2048xf32>
    %dot_general3A_173 = tpu.matmul %get3A_171, %convert_element_type3A, %dot_general3A_172 {dimension_numbers = #tpu.dot_dimension_numbers<[1], [0], [0], [1], [0, 0, 1, 1], [], []>, transpose_lhs_hint = false} : vector<1024x256xbf16>, vector<256x2048xbf16>, vector<1024x2048xf32> -> vector<1024x2048xf32>
    %reduce_max3A_174 = arith.constant dense<0xFF800000> : vector<2048xf32>
    %reduce_max3A_175 = vector.multi_reduction <maximumf>, %dot_general3A_124, %reduce_max3A_174 [0] : vector<1024x2048xf32> to vector<2048xf32>
    %broadcast_in_dim3A_176 = vector.shape_cast %reduce_max3A_175 : vector<2048xf32> to vector<1x2048xf32>
    %sub3A_177 = arith.subf %get3A_13, %broadcast_in_dim3A_176 : vector<1x2048xf32>
    %bitcast_convert_type3A_178 = tpu.bitcast %sub3A_177 : vector<1x2048xf32> -> vector<1x2048xi32>
    %add3A_179 = arith.constant 1 : i32
    %add3A_180 = vector.broadcast %add3A_179 : i32 to vector<1x2048xi32>
    %add3A_181 = arith.addi %bitcast_convert_type3A_178, %add3A_180 : vector<1x2048xi32>
    %bitcast_convert_type3A_182 = tpu.bitcast %add3A_181 : vector<1x2048xi32> -> vector<1x2048xf32>
    %sub3A_183 = arith.subf %bitcast_convert_type3A_182, %sub3A_177 : vector<1x2048xf32>
    %sub3A_184 = arith.subf %get3A_13, %sub3A_177 : vector<1x2048xf32>
    %mul3A_185 = arith.constant 5.000000e-01 : f32
    %mul3A_186 = vector.broadcast %mul3A_185 : f32 to vector<1x2048xf32>
    %mul3A_187 = arith.mulf %mul3A_186, %sub3A_183 : vector<1x2048xf32>
    %sub3A_188 = arith.subf %sub3A_184, %mul3A_187 : vector<1x2048xf32>
    %and3A_189 = arith.constant 1 : i32
    %and3A_190 = vector.broadcast %and3A_189 : i32 to vector<1x2048xi32>
    %and3A_191 = arith.andi %bitcast_convert_type3A_178, %and3A_190 : vector<1x2048xi32>
    %eq3A_192 = arith.constant 0 : i32
    %eq3A_193 = vector.broadcast %eq3A_192 : i32 to vector<1x2048xi32>
    %eq3A_194 = arith.cmpi eq, %and3A_191, %eq3A_193 : vector<1x2048xi32>
    %bitcast_convert_type3A_195 = tpu.bitcast %sub3A_188 : vector<1x2048xf32> -> vector<1x2048xi32>
    %add3A_196 = arith.constant 1 : i32
    %add3A_197 = vector.broadcast %add3A_196 : i32 to vector<1x2048xi32>
    %add3A_198 = arith.addi %bitcast_convert_type3A_195, %add3A_197 : vector<1x2048xi32>
    %bitcast_convert_type3A_199 = tpu.bitcast %add3A_198 : vector<1x2048xi32> -> vector<1x2048xf32>
    %select_n3A_200 = arith.select %eq3A_194, %sub3A_188, %bitcast_convert_type3A_199 : vector<1x2048xi1>, vector<1x2048xf32>
    %ge3A_201 = vector.broadcast %select_n3A_200 : vector<1x2048xf32> to vector<1024x2048xf32>
    %ge3A_202 = arith.cmpf oge, %dot_general3A_124, %ge3A_201 : vector<1024x2048xf32>
    %jit3A_203 = arith.constant 1.07374182E+9 : f32
    %broadcast_in_dim3A_204 = vector.shape_cast %convert_element_type3A_14 : vector<1024x1xf32> to vector<1024x1xf32>
    %broadcast_in_dim3A_205 = vector.broadcast %broadcast_in_dim3A_204 : vector<1024x1xf32> to vector<1024x2048xf32>
    %broadcast_in_dim3A_206 = vector.broadcast %jit3A_203 : f32 to vector<1024x2048xf32>
    %select_n3A_207 = arith.select %ge3A_202, %broadcast_in_dim3A_205, %broadcast_in_dim3A_206 : vector<1024x2048xi1>, vector<1024x2048xf32>
    %reduce_min3A_208 = arith.constant dense<0x7F800000> : vector<2048xf32>
    %reduce_min3A_209 = vector.multi_reduction <minimumf>, %select_n3A_207, %reduce_min3A_208 [0] : vector<1024x2048xf32> to vector<2048xf32>
    %broadcast_in_dim3A_210 = vector.shape_cast %reduce_min3A_209 : vector<2048xf32> to vector<1x2048xf32>
    %convert_element_type3A_211 = arith.fptosi %broadcast_in_dim3A_210 : vector<1x2048xf32> to vector<1x2048xi32>
    %add3A_212 = arith.constant 2736 : i32
    %add3A_213 = vector.broadcast %add3A_212 : i32 to vector<1x2048xi32>
    %add3A_214 = arith.addi %convert_element_type3A_211, %add3A_213 : vector<1x2048xi32>
    %lt3A_215 = arith.cmpf olt, %sub3A_177, %broadcast_in_dim3A_23 : vector<1x2048xf32>
    %select_n3A_216 = arith.select %lt3A_215, %sub3A_177, %broadcast_in_dim3A_23 : vector<1x2048xi1>, vector<1x2048xf32>
    %select_n3A_217 = arith.select %lt3A_215, %add3A_214, %broadcast_in_dim3A_25 : vector<1x2048xi1>, vector<1x2048xi32>
    %get3A_218 = arith.constant 4784 : index
    %get3A_219 = arith.constant 0 : index
    %get3A_220 = vector.load %arg3[%get3A_218, %get3A_219] : memref<8192x256xbf16, #tpu.memory_space<vmem>>, vector<688x256xbf16>
    %dot_general3A_221 = arith.constant dense<0.000000e+00> : vector<688x2048xf32>
    %dot_general3A_222 = tpu.matmul %get3A_220, %convert_element_type3A, %dot_general3A_221 {dimension_numbers = #tpu.dot_dimension_numbers<[1], [0], [0], [1], [0, 0, 1, 1], [], []>, transpose_lhs_hint = false} : vector<688x256xbf16>, vector<256x2048xbf16>, vector<688x2048xf32> -> vector<688x2048xf32>
    %reduce_max3A_223 = arith.constant dense<0xFF800000> : vector<2048xf32>
    %reduce_max3A_224 = vector.multi_reduction <maximumf>, %dot_general3A_173, %reduce_max3A_223 [0] : vector<1024x2048xf32> to vector<2048xf32>
    %broadcast_in_dim3A_225 = vector.shape_cast %reduce_max3A_224 : vector<2048xf32> to vector<1x2048xf32>
    %sub3A_226 = arith.subf %get3A_13, %broadcast_in_dim3A_225 : vector<1x2048xf32>
    %bitcast_convert_type3A_227 = tpu.bitcast %sub3A_226 : vector<1x2048xf32> -> vector<1x2048xi32>
    %add3A_228 = arith.constant 1 : i32
    %add3A_229 = vector.broadcast %add3A_228 : i32 to vector<1x2048xi32>
    %add3A_230 = arith.addi %bitcast_convert_type3A_227, %add3A_229 : vector<1x2048xi32>
    %bitcast_convert_type3A_231 = tpu.bitcast %add3A_230 : vector<1x2048xi32> -> vector<1x2048xf32>
    %sub3A_232 = arith.subf %bitcast_convert_type3A_231, %sub3A_226 : vector<1x2048xf32>
    %sub3A_233 = arith.subf %get3A_13, %sub3A_226 : vector<1x2048xf32>
    %mul3A_234 = arith.constant 5.000000e-01 : f32
    %mul3A_235 = vector.broadcast %mul3A_234 : f32 to vector<1x2048xf32>
    %mul3A_236 = arith.mulf %mul3A_235, %sub3A_232 : vector<1x2048xf32>
    %sub3A_237 = arith.subf %sub3A_233, %mul3A_236 : vector<1x2048xf32>
    %and3A_238 = arith.constant 1 : i32
    %and3A_239 = vector.broadcast %and3A_238 : i32 to vector<1x2048xi32>
    %and3A_240 = arith.andi %bitcast_convert_type3A_227, %and3A_239 : vector<1x2048xi32>
    %eq3A_241 = arith.constant 0 : i32
    %eq3A_242 = vector.broadcast %eq3A_241 : i32 to vector<1x2048xi32>
    %eq3A_243 = arith.cmpi eq, %and3A_240, %eq3A_242 : vector<1x2048xi32>
    %bitcast_convert_type3A_244 = tpu.bitcast %sub3A_237 : vector<1x2048xf32> -> vector<1x2048xi32>
    %add3A_245 = arith.constant 1 : i32
    %add3A_246 = vector.broadcast %add3A_245 : i32 to vector<1x2048xi32>
    %add3A_247 = arith.addi %bitcast_convert_type3A_244, %add3A_246 : vector<1x2048xi32>
    %bitcast_convert_type3A_248 = tpu.bitcast %add3A_247 : vector<1x2048xi32> -> vector<1x2048xf32>
    %select_n3A_249 = arith.select %eq3A_243, %sub3A_237, %bitcast_convert_type3A_248 : vector<1x2048xi1>, vector<1x2048xf32>
    %ge3A_250 = vector.broadcast %select_n3A_249 : vector<1x2048xf32> to vector<1024x2048xf32>
    %ge3A_251 = arith.cmpf oge, %dot_general3A_173, %ge3A_250 : vector<1024x2048xf32>
    %jit3A_252 = arith.constant 1.07374182E+9 : f32
    %broadcast_in_dim3A_253 = vector.shape_cast %convert_element_type3A_14 : vector<1024x1xf32> to vector<1024x1xf32>
    %broadcast_in_dim3A_254 = vector.broadcast %broadcast_in_dim3A_253 : vector<1024x1xf32> to vector<1024x2048xf32>
    %broadcast_in_dim3A_255 = vector.broadcast %jit3A_252 : f32 to vector<1024x2048xf32>
    %select_n3A_256 = arith.select %ge3A_251, %broadcast_in_dim3A_254, %broadcast_in_dim3A_255 : vector<1024x2048xi1>, vector<1024x2048xf32>
    %reduce_min3A_257 = arith.constant dense<0x7F800000> : vector<2048xf32>
    %reduce_min3A_258 = vector.multi_reduction <minimumf>, %select_n3A_256, %reduce_min3A_257 [0] : vector<1024x2048xf32> to vector<2048xf32>
    %broadcast_in_dim3A_259 = vector.shape_cast %reduce_min3A_258 : vector<2048xf32> to vector<1x2048xf32>
    %convert_element_type3A_260 = arith.fptosi %broadcast_in_dim3A_259 : vector<1x2048xf32> to vector<1x2048xi32>
    %add3A_261 = arith.constant 3760 : i32
    %add3A_262 = vector.broadcast %add3A_261 : i32 to vector<1x2048xi32>
    %add3A_263 = arith.addi %convert_element_type3A_260, %add3A_262 : vector<1x2048xi32>
    %lt3A_264 = arith.cmpf olt, %sub3A_226, %select_n3A_216 : vector<1x2048xf32>
    %select_n3A_265 = arith.select %lt3A_264, %sub3A_226, %select_n3A_216 : vector<1x2048xi1>, vector<1x2048xf32>
    %select_n3A_266 = arith.select %lt3A_264, %add3A_263, %select_n3A_217 : vector<1x2048xi1>, vector<1x2048xi32>
    %get3A_267 = arith.constant 5472 : index
    %get3A_268 = arith.constant 0 : index
    %get3A_269 = vector.load %arg3[%get3A_267, %get3A_268] : memref<8192x256xbf16, #tpu.memory_space<vmem>>, vector<1024x256xbf16>
    %dot_general3A_270 = arith.constant dense<0.000000e+00> : vector<1024x2048xf32>
    %dot_general3A_271 = tpu.matmul %get3A_269, %convert_element_type3A, %dot_general3A_270 {dimension_numbers = #tpu.dot_dimension_numbers<[1], [0], [0], [1], [0, 0, 1, 1], [], []>, transpose_lhs_hint = false} : vector<1024x256xbf16>, vector<256x2048xbf16>, vector<1024x2048xf32> -> vector<1024x2048xf32>
    %reduce_max3A_272 = arith.constant dense<0xFF800000> : vector<2048xf32>
    %reduce_max3A_273 = vector.multi_reduction <maximumf>, %dot_general3A_222, %reduce_max3A_272 [0] : vector<688x2048xf32> to vector<2048xf32>
    %broadcast_in_dim3A_274 = vector.shape_cast %reduce_max3A_273 : vector<2048xf32> to vector<1x2048xf32>
    %sub3A_275 = arith.subf %get3A_13, %broadcast_in_dim3A_274 : vector<1x2048xf32>
    %bitcast_convert_type3A_276 = tpu.bitcast %sub3A_275 : vector<1x2048xf32> -> vector<1x2048xi32>
    %add3A_277 = arith.constant 1 : i32
    %add3A_278 = vector.broadcast %add3A_277 : i32 to vector<1x2048xi32>
    %add3A_279 = arith.addi %bitcast_convert_type3A_276, %add3A_278 : vector<1x2048xi32>
    %bitcast_convert_type3A_280 = tpu.bitcast %add3A_279 : vector<1x2048xi32> -> vector<1x2048xf32>
    %sub3A_281 = arith.subf %bitcast_convert_type3A_280, %sub3A_275 : vector<1x2048xf32>
    %sub3A_282 = arith.subf %get3A_13, %sub3A_275 : vector<1x2048xf32>
    %mul3A_283 = arith.constant 5.000000e-01 : f32
    %mul3A_284 = vector.broadcast %mul3A_283 : f32 to vector<1x2048xf32>
    %mul3A_285 = arith.mulf %mul3A_284, %sub3A_281 : vector<1x2048xf32>
    %sub3A_286 = arith.subf %sub3A_282, %mul3A_285 : vector<1x2048xf32>
    %and3A_287 = arith.constant 1 : i32
    %and3A_288 = vector.broadcast %and3A_287 : i32 to vector<1x2048xi32>
    %and3A_289 = arith.andi %bitcast_convert_type3A_276, %and3A_288 : vector<1x2048xi32>
    %eq3A_290 = arith.constant 0 : i32
    %eq3A_291 = vector.broadcast %eq3A_290 : i32 to vector<1x2048xi32>
    %eq3A_292 = arith.cmpi eq, %and3A_289, %eq3A_291 : vector<1x2048xi32>
    %bitcast_convert_type3A_293 = tpu.bitcast %sub3A_286 : vector<1x2048xf32> -> vector<1x2048xi32>
    %add3A_294 = arith.constant 1 : i32
    %add3A_295 = vector.broadcast %add3A_294 : i32 to vector<1x2048xi32>
    %add3A_296 = arith.addi %bitcast_convert_type3A_293, %add3A_295 : vector<1x2048xi32>
    %bitcast_convert_type3A_297 = tpu.bitcast %add3A_296 : vector<1x2048xi32> -> vector<1x2048xf32>
    %select_n3A_298 = arith.select %eq3A_292, %sub3A_286, %bitcast_convert_type3A_297 : vector<1x2048xi1>, vector<1x2048xf32>
    %ge3A_299 = vector.broadcast %select_n3A_298 : vector<1x2048xf32> to vector<688x2048xf32>
    %ge3A_300 = arith.cmpf oge, %dot_general3A_222, %ge3A_299 : vector<688x2048xf32>
    %jit3A_301 = arith.constant 1.07374182E+9 : f32
    %broadcast_in_dim3A_302 = vector.shape_cast %convert_element_type3A_16 : vector<688x1xf32> to vector<688x1xf32>
    %broadcast_in_dim3A_303 = vector.broadcast %broadcast_in_dim3A_302 : vector<688x1xf32> to vector<688x2048xf32>
    %broadcast_in_dim3A_304 = vector.broadcast %jit3A_301 : f32 to vector<688x2048xf32>
    %select_n3A_305 = arith.select %ge3A_300, %broadcast_in_dim3A_303, %broadcast_in_dim3A_304 : vector<688x2048xi1>, vector<688x2048xf32>
    %reduce_min3A_306 = arith.constant dense<0x7F800000> : vector<2048xf32>
    %reduce_min3A_307 = vector.multi_reduction <minimumf>, %select_n3A_305, %reduce_min3A_306 [0] : vector<688x2048xf32> to vector<2048xf32>
    %broadcast_in_dim3A_308 = vector.shape_cast %reduce_min3A_307 : vector<2048xf32> to vector<1x2048xf32>
    %convert_element_type3A_309 = arith.fptosi %broadcast_in_dim3A_308 : vector<1x2048xf32> to vector<1x2048xi32>
    %add3A_310 = arith.constant 4784 : i32
    %add3A_311 = vector.broadcast %add3A_310 : i32 to vector<1x2048xi32>
    %add3A_312 = arith.addi %convert_element_type3A_309, %add3A_311 : vector<1x2048xi32>
    %lt3A_313 = arith.cmpf olt, %sub3A_275, %select_n3A_265 : vector<1x2048xf32>
    %select_n3A_314 = arith.select %lt3A_313, %sub3A_275, %select_n3A_265 : vector<1x2048xi1>, vector<1x2048xf32>
    %select_n3A_315 = arith.select %lt3A_313, %add3A_312, %select_n3A_266 : vector<1x2048xi1>, vector<1x2048xi32>
    %get3A_316 = arith.constant 6496 : index
    %get3A_317 = arith.constant 0 : index
    %get3A_318 = vector.load %arg3[%get3A_316, %get3A_317] : memref<8192x256xbf16, #tpu.memory_space<vmem>>, vector<1024x256xbf16>
    %dot_general3A_319 = arith.constant dense<0.000000e+00> : vector<1024x2048xf32>
    %dot_general3A_320 = tpu.matmul %get3A_318, %convert_element_type3A, %dot_general3A_319 {dimension_numbers = #tpu.dot_dimension_numbers<[1], [0], [0], [1], [0, 0, 1, 1], [], []>, transpose_lhs_hint = false} : vector<1024x256xbf16>, vector<256x2048xbf16>, vector<1024x2048xf32> -> vector<1024x2048xf32>
    %reduce_max3A_321 = arith.constant dense<0xFF800000> : vector<2048xf32>
    %reduce_max3A_322 = vector.multi_reduction <maximumf>, %dot_general3A_271, %reduce_max3A_321 [0] : vector<1024x2048xf32> to vector<2048xf32>
    %broadcast_in_dim3A_323 = vector.shape_cast %reduce_max3A_322 : vector<2048xf32> to vector<1x2048xf32>
    %sub3A_324 = arith.subf %get3A_13, %broadcast_in_dim3A_323 : vector<1x2048xf32>
    %bitcast_convert_type3A_325 = tpu.bitcast %sub3A_324 : vector<1x2048xf32> -> vector<1x2048xi32>
    %add3A_326 = arith.constant 1 : i32
    %add3A_327 = vector.broadcast %add3A_326 : i32 to vector<1x2048xi32>
    %add3A_328 = arith.addi %bitcast_convert_type3A_325, %add3A_327 : vector<1x2048xi32>
    %bitcast_convert_type3A_329 = tpu.bitcast %add3A_328 : vector<1x2048xi32> -> vector<1x2048xf32>
    %sub3A_330 = arith.subf %bitcast_convert_type3A_329, %sub3A_324 : vector<1x2048xf32>
    %sub3A_331 = arith.subf %get3A_13, %sub3A_324 : vector<1x2048xf32>
    %mul3A_332 = arith.constant 5.000000e-01 : f32
    %mul3A_333 = vector.broadcast %mul3A_332 : f32 to vector<1x2048xf32>
    %mul3A_334 = arith.mulf %mul3A_333, %sub3A_330 : vector<1x2048xf32>
    %sub3A_335 = arith.subf %sub3A_331, %mul3A_334 : vector<1x2048xf32>
    %and3A_336 = arith.constant 1 : i32
    %and3A_337 = vector.broadcast %and3A_336 : i32 to vector<1x2048xi32>
    %and3A_338 = arith.andi %bitcast_convert_type3A_325, %and3A_337 : vector<1x2048xi32>
    %eq3A_339 = arith.constant 0 : i32
    %eq3A_340 = vector.broadcast %eq3A_339 : i32 to vector<1x2048xi32>
    %eq3A_341 = arith.cmpi eq, %and3A_338, %eq3A_340 : vector<1x2048xi32>
    %bitcast_convert_type3A_342 = tpu.bitcast %sub3A_335 : vector<1x2048xf32> -> vector<1x2048xi32>
    %add3A_343 = arith.constant 1 : i32
    %add3A_344 = vector.broadcast %add3A_343 : i32 to vector<1x2048xi32>
    %add3A_345 = arith.addi %bitcast_convert_type3A_342, %add3A_344 : vector<1x2048xi32>
    %bitcast_convert_type3A_346 = tpu.bitcast %add3A_345 : vector<1x2048xi32> -> vector<1x2048xf32>
    %select_n3A_347 = arith.select %eq3A_341, %sub3A_335, %bitcast_convert_type3A_346 : vector<1x2048xi1>, vector<1x2048xf32>
    %ge3A_348 = vector.broadcast %select_n3A_347 : vector<1x2048xf32> to vector<1024x2048xf32>
    %ge3A_349 = arith.cmpf oge, %dot_general3A_271, %ge3A_348 : vector<1024x2048xf32>
    %jit3A_350 = arith.constant 1.07374182E+9 : f32
    %broadcast_in_dim3A_351 = vector.shape_cast %convert_element_type3A_14 : vector<1024x1xf32> to vector<1024x1xf32>
    %broadcast_in_dim3A_352 = vector.broadcast %broadcast_in_dim3A_351 : vector<1024x1xf32> to vector<1024x2048xf32>
    %broadcast_in_dim3A_353 = vector.broadcast %jit3A_350 : f32 to vector<1024x2048xf32>
    %select_n3A_354 = arith.select %ge3A_349, %broadcast_in_dim3A_352, %broadcast_in_dim3A_353 : vector<1024x2048xi1>, vector<1024x2048xf32>
    %reduce_min3A_355 = arith.constant dense<0x7F800000> : vector<2048xf32>
    %reduce_min3A_356 = vector.multi_reduction <minimumf>, %select_n3A_354, %reduce_min3A_355 [0] : vector<1024x2048xf32> to vector<2048xf32>
    %broadcast_in_dim3A_357 = vector.shape_cast %reduce_min3A_356 : vector<2048xf32> to vector<1x2048xf32>
    %convert_element_type3A_358 = arith.fptosi %broadcast_in_dim3A_357 : vector<1x2048xf32> to vector<1x2048xi32>
    %add3A_359 = arith.constant 5472 : i32
    %add3A_360 = vector.broadcast %add3A_359 : i32 to vector<1x2048xi32>
    %add3A_361 = arith.addi %convert_element_type3A_358, %add3A_360 : vector<1x2048xi32>
    %lt3A_362 = arith.cmpf olt, %sub3A_324, %broadcast_in_dim3A_27 : vector<1x2048xf32>
    %select_n3A_363 = arith.select %lt3A_362, %sub3A_324, %broadcast_in_dim3A_27 : vector<1x2048xi1>, vector<1x2048xf32>
    %select_n3A_364 = arith.select %lt3A_362, %add3A_361, %broadcast_in_dim3A_29 : vector<1x2048xi1>, vector<1x2048xi32>
    %get3A_365 = arith.constant 7520 : index
    %get3A_366 = arith.constant 0 : index
    %get3A_367 = vector.load %arg3[%get3A_365, %get3A_366] : memref<8192x256xbf16, #tpu.memory_space<vmem>>, vector<672x256xbf16>
    %dot_general3A_368 = arith.constant dense<0.000000e+00> : vector<672x2048xf32>
    %dot_general3A_369 = tpu.matmul %get3A_367, %convert_element_type3A, %dot_general3A_368 {dimension_numbers = #tpu.dot_dimension_numbers<[1], [0], [0], [1], [0, 0, 1, 1], [], []>, transpose_lhs_hint = false} : vector<672x256xbf16>, vector<256x2048xbf16>, vector<672x2048xf32> -> vector<672x2048xf32>
    %reduce_max3A_370 = arith.constant dense<0xFF800000> : vector<2048xf32>
    %reduce_max3A_371 = vector.multi_reduction <maximumf>, %dot_general3A_320, %reduce_max3A_370 [0] : vector<1024x2048xf32> to vector<2048xf32>
    %broadcast_in_dim3A_372 = vector.shape_cast %reduce_max3A_371 : vector<2048xf32> to vector<1x2048xf32>
    %sub3A_373 = arith.subf %get3A_13, %broadcast_in_dim3A_372 : vector<1x2048xf32>
    %bitcast_convert_type3A_374 = tpu.bitcast %sub3A_373 : vector<1x2048xf32> -> vector<1x2048xi32>
    %add3A_375 = arith.constant 1 : i32
    %add3A_376 = vector.broadcast %add3A_375 : i32 to vector<1x2048xi32>
    %add3A_377 = arith.addi %bitcast_convert_type3A_374, %add3A_376 : vector<1x2048xi32>
    %bitcast_convert_type3A_378 = tpu.bitcast %add3A_377 : vector<1x2048xi32> -> vector<1x2048xf32>
    %sub3A_379 = arith.subf %bitcast_convert_type3A_378, %sub3A_373 : vector<1x2048xf32>
    %sub3A_380 = arith.subf %get3A_13, %sub3A_373 : vector<1x2048xf32>
    %mul3A_381 = arith.constant 5.000000e-01 : f32
    %mul3A_382 = vector.broadcast %mul3A_381 : f32 to vector<1x2048xf32>
    %mul3A_383 = arith.mulf %mul3A_382, %sub3A_379 : vector<1x2048xf32>
    %sub3A_384 = arith.subf %sub3A_380, %mul3A_383 : vector<1x2048xf32>
    %and3A_385 = arith.constant 1 : i32
    %and3A_386 = vector.broadcast %and3A_385 : i32 to vector<1x2048xi32>
    %and3A_387 = arith.andi %bitcast_convert_type3A_374, %and3A_386 : vector<1x2048xi32>
    %eq3A_388 = arith.constant 0 : i32
    %eq3A_389 = vector.broadcast %eq3A_388 : i32 to vector<1x2048xi32>
    %eq3A_390 = arith.cmpi eq, %and3A_387, %eq3A_389 : vector<1x2048xi32>
    %bitcast_convert_type3A_391 = tpu.bitcast %sub3A_384 : vector<1x2048xf32> -> vector<1x2048xi32>
    %add3A_392 = arith.constant 1 : i32
    %add3A_393 = vector.broadcast %add3A_392 : i32 to vector<1x2048xi32>
    %add3A_394 = arith.addi %bitcast_convert_type3A_391, %add3A_393 : vector<1x2048xi32>
    %bitcast_convert_type3A_395 = tpu.bitcast %add3A_394 : vector<1x2048xi32> -> vector<1x2048xf32>
    %select_n3A_396 = arith.select %eq3A_390, %sub3A_384, %bitcast_convert_type3A_395 : vector<1x2048xi1>, vector<1x2048xf32>
    %ge3A_397 = vector.broadcast %select_n3A_396 : vector<1x2048xf32> to vector<1024x2048xf32>
    %ge3A_398 = arith.cmpf oge, %dot_general3A_320, %ge3A_397 : vector<1024x2048xf32>
    %jit3A_399 = arith.constant 1.07374182E+9 : f32
    %broadcast_in_dim3A_400 = vector.shape_cast %convert_element_type3A_14 : vector<1024x1xf32> to vector<1024x1xf32>
    %broadcast_in_dim3A_401 = vector.broadcast %broadcast_in_dim3A_400 : vector<1024x1xf32> to vector<1024x2048xf32>
    %broadcast_in_dim3A_402 = vector.broadcast %jit3A_399 : f32 to vector<1024x2048xf32>
    %select_n3A_403 = arith.select %ge3A_398, %broadcast_in_dim3A_401, %broadcast_in_dim3A_402 : vector<1024x2048xi1>, vector<1024x2048xf32>
    %reduce_min3A_404 = arith.constant dense<0x7F800000> : vector<2048xf32>
    %reduce_min3A_405 = vector.multi_reduction <minimumf>, %select_n3A_403, %reduce_min3A_404 [0] : vector<1024x2048xf32> to vector<2048xf32>
    %broadcast_in_dim3A_406 = vector.shape_cast %reduce_min3A_405 : vector<2048xf32> to vector<1x2048xf32>
    %convert_element_type3A_407 = arith.fptosi %broadcast_in_dim3A_406 : vector<1x2048xf32> to vector<1x2048xi32>
    %add3A_408 = arith.constant 6496 : i32
    %add3A_409 = vector.broadcast %add3A_408 : i32 to vector<1x2048xi32>
    %add3A_410 = arith.addi %convert_element_type3A_407, %add3A_409 : vector<1x2048xi32>
    %lt3A_411 = arith.cmpf olt, %sub3A_373, %select_n3A_363 : vector<1x2048xf32>
    %select_n3A_412 = arith.select %lt3A_411, %sub3A_373, %select_n3A_363 : vector<1x2048xi1>, vector<1x2048xf32>
    %select_n3A_413 = arith.select %lt3A_411, %add3A_410, %select_n3A_364 : vector<1x2048xi1>, vector<1x2048xi32>
    %reduce_max3A_414 = arith.constant dense<0xFF800000> : vector<2048xf32>
    %reduce_max3A_415 = vector.multi_reduction <maximumf>, %dot_general3A_369, %reduce_max3A_414 [0] : vector<672x2048xf32> to vector<2048xf32>
    %broadcast_in_dim3A_416 = vector.shape_cast %reduce_max3A_415 : vector<2048xf32> to vector<1x2048xf32>
    %sub3A_417 = arith.subf %get3A_13, %broadcast_in_dim3A_416 : vector<1x2048xf32>
    %bitcast_convert_type3A_418 = tpu.bitcast %sub3A_417 : vector<1x2048xf32> -> vector<1x2048xi32>
    %add3A_419 = arith.constant 1 : i32
    %add3A_420 = vector.broadcast %add3A_419 : i32 to vector<1x2048xi32>
    %add3A_421 = arith.addi %bitcast_convert_type3A_418, %add3A_420 : vector<1x2048xi32>
    %bitcast_convert_type3A_422 = tpu.bitcast %add3A_421 : vector<1x2048xi32> -> vector<1x2048xf32>
    %sub3A_423 = arith.subf %bitcast_convert_type3A_422, %sub3A_417 : vector<1x2048xf32>
    %sub3A_424 = arith.subf %get3A_13, %sub3A_417 : vector<1x2048xf32>
    %mul3A_425 = arith.constant 5.000000e-01 : f32
    %mul3A_426 = vector.broadcast %mul3A_425 : f32 to vector<1x2048xf32>
    %mul3A_427 = arith.mulf %mul3A_426, %sub3A_423 : vector<1x2048xf32>
    %sub3A_428 = arith.subf %sub3A_424, %mul3A_427 : vector<1x2048xf32>
    %and3A_429 = arith.constant 1 : i32
    %and3A_430 = vector.broadcast %and3A_429 : i32 to vector<1x2048xi32>
    %and3A_431 = arith.andi %bitcast_convert_type3A_418, %and3A_430 : vector<1x2048xi32>
    %eq3A_432 = arith.constant 0 : i32
    %eq3A_433 = vector.broadcast %eq3A_432 : i32 to vector<1x2048xi32>
    %eq3A_434 = arith.cmpi eq, %and3A_431, %eq3A_433 : vector<1x2048xi32>
    %bitcast_convert_type3A_435 = tpu.bitcast %sub3A_428 : vector<1x2048xf32> -> vector<1x2048xi32>
    %add3A_436 = arith.constant 1 : i32
    %add3A_437 = vector.broadcast %add3A_436 : i32 to vector<1x2048xi32>
    %add3A_438 = arith.addi %bitcast_convert_type3A_435, %add3A_437 : vector<1x2048xi32>
    %bitcast_convert_type3A_439 = tpu.bitcast %add3A_438 : vector<1x2048xi32> -> vector<1x2048xf32>
    %select_n3A_440 = arith.select %eq3A_434, %sub3A_428, %bitcast_convert_type3A_439 : vector<1x2048xi1>, vector<1x2048xf32>
    %ge3A_441 = vector.broadcast %select_n3A_440 : vector<1x2048xf32> to vector<672x2048xf32>
    %ge3A_442 = arith.cmpf oge, %dot_general3A_369, %ge3A_441 : vector<672x2048xf32>
    %jit3A_443 = arith.constant 1.07374182E+9 : f32
    %broadcast_in_dim3A_444 = vector.shape_cast %convert_element_type3A_18 : vector<672x1xf32> to vector<672x1xf32>
    %broadcast_in_dim3A_445 = vector.broadcast %broadcast_in_dim3A_444 : vector<672x1xf32> to vector<672x2048xf32>
    %broadcast_in_dim3A_446 = vector.broadcast %jit3A_443 : f32 to vector<672x2048xf32>
    %select_n3A_447 = arith.select %ge3A_442, %broadcast_in_dim3A_445, %broadcast_in_dim3A_446 : vector<672x2048xi1>, vector<672x2048xf32>
    %reduce_min3A_448 = arith.constant dense<0x7F800000> : vector<2048xf32>
    %reduce_min3A_449 = vector.multi_reduction <minimumf>, %select_n3A_447, %reduce_min3A_448 [0] : vector<672x2048xf32> to vector<2048xf32>
    %broadcast_in_dim3A_450 = vector.shape_cast %reduce_min3A_449 : vector<2048xf32> to vector<1x2048xf32>
    %convert_element_type3A_451 = arith.fptosi %broadcast_in_dim3A_450 : vector<1x2048xf32> to vector<1x2048xi32>
    %add3A_452 = arith.constant 7520 : i32
    %add3A_453 = vector.broadcast %add3A_452 : i32 to vector<1x2048xi32>
    %add3A_454 = arith.addi %convert_element_type3A_451, %add3A_453 : vector<1x2048xi32>
    %lt3A_455 = arith.cmpf olt, %sub3A_417, %select_n3A_412 : vector<1x2048xf32>
    %select_n3A_456 = arith.select %lt3A_455, %sub3A_417, %select_n3A_412 : vector<1x2048xi1>, vector<1x2048xf32>
    %select_n3A_457 = arith.select %lt3A_455, %add3A_454, %select_n3A_413 : vector<1x2048xi1>, vector<1x2048xi32>
    %convert_element_type3A_458 = arith.truncf %select_n3A_167 : vector<1x2048xf32> to vector<1x2048xbf16>
    %convert_element_type3A_459 = arith.extf %convert_element_type3A_458 : vector<1x2048xbf16> to vector<1x2048xf32>
    %lt3A_460 = arith.cmpf olt, %select_n3A_314, %convert_element_type3A_459 : vector<1x2048xf32>
    %eq3A_461 = arith.cmpf oeq, %select_n3A_314, %convert_element_type3A_459 : vector<1x2048xf32>
    %lt3A_462 = arith.cmpi slt, %select_n3A_315, %select_n3A_168 : vector<1x2048xi32>
    %and3A_463 = arith.andi %eq3A_461, %lt3A_462 : vector<1x2048xi1>
    %or3A = arith.ori %lt3A_460, %and3A_463 : vector<1x2048xi1>
    %select_n3A_464 = arith.select %or3A, %select_n3A_314, %select_n3A_167 : vector<1x2048xi1>, vector<1x2048xf32>
    %select_n3A_465 = arith.select %or3A, %select_n3A_315, %select_n3A_168 : vector<1x2048xi1>, vector<1x2048xi32>
    %min3A = arith.minimumf %convert_element_type3A_459, %select_n3A_314 : vector<1x2048xf32>
    %convert_element_type3A_466 = arith.truncf %min3A : vector<1x2048xf32> to vector<1x2048xbf16>
    %convert_element_type3A_467 = arith.extf %convert_element_type3A_466 : vector<1x2048xbf16> to vector<1x2048xf32>
    %lt3A_468 = arith.cmpf olt, %select_n3A_456, %convert_element_type3A_467 : vector<1x2048xf32>
    %eq3A_469 = arith.cmpf oeq, %select_n3A_456, %convert_element_type3A_467 : vector<1x2048xf32>
    %lt3A_470 = arith.cmpi slt, %select_n3A_457, %select_n3A_465 : vector<1x2048xi32>
    %and3A_471 = arith.andi %eq3A_469, %lt3A_470 : vector<1x2048xi1>
    %or3A_472 = arith.ori %lt3A_468, %and3A_471 : vector<1x2048xi1>
    %select_n3A_473 = arith.select %or3A_472, %select_n3A_456, %select_n3A_464 : vector<1x2048xi1>, vector<1x2048xf32>
    %select_n3A_474 = arith.select %or3A_472, %select_n3A_457, %select_n3A_465 : vector<1x2048xi1>, vector<1x2048xi32>
    %reshape3A = vector.shape_cast %select_n3A_474 : vector<1x2048xi32> to vector<1x1x2048xi32>
    %swap3A = arith.constant 0 : index
    %swap3A_475 = arith.constant 0 : index
    %swap3A_476 = arith.constant 0 : index
    %swap3A_477 = vector.load %arg4[%swap3A, %swap3A_475, %swap3A_476] : memref<1x1x2048xi32, #tpu.memory_space<vmem>>, vector<1x1x2048xi32>
    tpu.vector_store %arg4[%swap3A, %swap3A_475, %swap3A_476], %reshape3A {strides = array<i32>} : memref<1x1x2048xi32, #tpu.memory_space<vmem>>, vector<1x1x2048xi32>,
    %eq3A_478 = arith.constant 0 : i32
    %eq3A_479 = arith.cmpi eq, %arg0, %eq3A_478 : i32
    %convert_element_type3A_480 = arith.extui %eq3A_479 : i1 to i32
    %cond3A = arith.constant 0 : i32
    %cond3A_481 = arith.cmpi ne, %convert_element_type3A_480, %cond3A : i32
    scf.if %cond3A_481 {
      %broadcast_in_dim3A_491 = arith.constant 0.000000e+00 : f32
      %broadcast_in_dim3A_492 = vector.broadcast %broadcast_in_dim3A_491 : f32 to vector<1x1xf32>
      %swap3A_493 = arith.constant 0 : index
      %swap3A_494 = arith.constant 0 : index
      %swap3A_495 = vector.load %arg5[%swap3A_493, %swap3A_494] : memref<1x1xf32, #tpu.memory_space<vmem>>, vector<1x1xf32>
      tpu.vector_store %arg5[%swap3A_493, %swap3A_494], %broadcast_in_dim3A_492 {strides = array<i32>} : memref<1x1xf32, #tpu.memory_space<vmem>>, vector<1x1xf32>,
    } else {
    }
    %get3A_482 = arith.constant 0 : index
    %get3A_483 = arith.constant 0 : index
    %get3A_484 = vector.load %arg5[%get3A_482, %get3A_483] : memref<1x1xf32, #tpu.memory_space<vmem>>, vector<1x1xf32>
    %reduce_sum3A = arith.constant dense<0.000000e+00> : vector<1xf32>
    %reduce_sum3A_485 = vector.multi_reduction <add>, %select_n3A_473, %reduce_sum3A [1] : vector<1x2048xf32> to vector<1xf32>
    %broadcast_in_dim3A_486 = vector.shape_cast %reduce_sum3A_485 : vector<1xf32> to vector<1x1xf32>
    %add3A_487 = arith.addf %get3A_484, %broadcast_in_dim3A_486 : vector<1x1xf32>
    %swap3A_488 = arith.constant 0 : index
    %swap3A_489 = arith.constant 0 : index
    %swap3A_490 = vector.load %arg5[%swap3A_488, %swap3A_489] : memref<1x1xf32, #tpu.memory_space<vmem>>, vector<1x1xf32>
    tpu.vector_store %arg5[%swap3A_488, %swap3A_489], %add3A_487 {strides = array<i32>} : memref<1x1xf32, #tpu.memory_space<vmem>>, vector<1x1xf32>,
    return
  }
  func.func @transform_0(%arg0: i32) -> (i32, i32, i32) {
    %c0_i32 = arith.constant 0 : i32
    %c0_i32_0 = arith.constant 0 : i32
    %c0_i32_1 = arith.constant 0 : i32
    return %arg0, %c0_i32, %c0_i32_0 : i32, i32, i32
  }
  func.func @transform_1(%arg0: i32) -> (i32, i32, i32) {
    %c0_i32 = arith.constant 0 : i32
    %c0_i32_0 = arith.constant 0 : i32
    %c0_i32_1 = arith.constant 0 : i32
    return %arg0, %c0_i32, %c0_i32_0 : i32, i32, i32
  }
  func.func @transform_2(%arg0: i32) -> (i32, i32) {
    %c0_i32 = arith.constant 0 : i32
    %c0_i32_0 = arith.constant 0 : i32
    %c0_i32_1 = arith.constant 0 : i32
    return %c0_i32, %c0_i32_0 : i32, i32
  }
  func.func @transform_3(%arg0: i32) -> (i32, i32, i32) {
    %c0_i32 = arith.constant 0 : i32
    %c0_i32_0 = arith.constant 0 : i32
    %c0_i32_1 = arith.constant 0 : i32
    return %arg0, %c0_i32, %c0_i32_0 : i32, i32, i32
  }
  func.func @transform_4(%arg0: i32) -> (i32, i32) {
    %c0_i32 = arith.constant 0 : i32
    %c0_i32_0 = arith.constant 0 : i32
    %c0_i32_1 = arith.constant 0 : i32
    return %c0_i32, %c0_i32_0 : i32, i32
  }
}

</mosaic_0001>

<sc_bundles>
// kernel: kernel.6.cloned.1.call-start
scs
__scs_entry_jumppad:
0x0: {  	(pc) =	sbr.rel $0x88, $3  }
0x1: {  	(tag) =	ssettag $0x0;
	lr =	simm.s32 $0x1  }
0x2: {  	[smem:$0x3F9F] =	sst lr;
	_ =	strace $0xD0000000  }
0x3: {  	_ = 	snop  }
0x4: {  	_ = 	snop  }
0x5: {  	_ = 	snop  }
0x6: {  	_ = 	snop  }
0x7: {  	_ = 	snop  }
__scs_overlays_trampoline_lowered:
0x8: {  	[smem:$0x3FAE] =	sst s0  }
0x9: {  	[smem:$0x3FAF] =	sst s1  }
0xa: {  	[smem:$0x3FB0] =	sst s2  }
0xb: {  	[smem:$0x3FB1] =	sst s3  }
0xc: {  	[smem:$0x3FB2] =	sst s4  }
0xd: {  	[smem:$0x3FB3] =	sst s5  }
0xe: {  	[smem:$0x3FB4] =	sst s6  }
0xf: {  	[smem:$0x3FB5] =	sst s7  }
0x10: {  	[smem:$0x3FB6] =	sst s8  }
0x11: {  	[smem:$0x3FB7] =	sst s9;
	s0 =	simm.s32 @!p0 $0x0  }
0x12: {  	s1 =	sld [smem:$0x3F9D];
	s0 =	simm.s32 @p0 $0x1  }
0x13: {  	[smem:$0x3FB8] =	sst s0;
	s0 =	simm.s32 @!p1 $0x0  }
0x14: {  	s2 =	sld [smem:$0x3F9C];
	s0 =	simm.s32 @p1 $0x1  }
0x15: {  	[smem:$0x3FB9] =	sst s0;
	s0 =	simm.s32 @!p2 $0x0  }
0x16: {  	s3 =	sld [smem:$0x3FDB];
	s0 =	simm.s32 @p2 $0x1  }
0x17: {  	s4 =	simm.s32 $0x1BF5;
	[smem:$0x3FBB] =	sst s0  }
0x18: {  	s0 =	sld [smem:$0x3F9E];
	_ =	swait.ge [sflag:s4], $0x0  }
0x19: {  	s7 =	sld [smem:$0x3F9F]  }
0x1a: {  	s8 =	sadd.s32 $0xFFFFE003, lr  }
0x1b: {  	s9 =	sadd.s32 $0xFFFFFEF7, lr;
	s5 =	simm.s32 $0xFFFFFFFF;
	p2 =	slt.u32 s8, $0xFFFFF086  }
0x1c: {  	p1 =	slt.u32 s9, $0xF7A;
	s5 =	simm.s32 @!p2 $0x0  }
0x1d: {  	s5 =	simm.s32 @p1 $0x1;
	p0 =	seq.s32 s7, s2  }
0x1e: {  	s7 =	smul.u32 @!p0 $0xF7A, s2;
	p2 =	seq.s32 @!p0 s5, $0x0  }
0x1f: {  	s9 =	smul.u32 $0xF7A, s1;
	s8 =	simm.s32 @!p0 $0x1BF5;
	p2 =	por !p2, p0  }
0x20: {  	[sflag:s8] =	ssyncset.s32 @!p0 $0xFFFFF086;
	s6 =	sadd.s32 @!p0 s3, s7;
	s7 =	simm.s32 @!p0 $0x108  }
0x21: {  	s3 =	sadd.s32 s3, s9;
	s6 =	sadd.s32 @!p0 $0x88, s6;
	s7 =	simm.s32 @p2 $0x1082  }
0x22: {  	[simem:s7], [sflag:s8] =	dma.local @!p0 [hbm:s6], $0xF7A  }
0x23: {  	s9 =	sor.u32 $0xD0000000, s2;
	s6 =	simm.s32 $0x108;
	_ =	swait.ge @!p0 [sflag:s8], $0x0  }
0x24: {  	s3 =	sadd.s32 $0x88, s3;
	s6 =	simm.s32 @!p1 $0x1082;
	[sflag:s4] =	ssyncset.s32 $0xFFFFF086  }
0x25: {  	[simem:s6], [sflag:s4] =	dma.local [hbm:s3], $0xF7A  }
0x26: {  	[smem:$0x3F9F] =	sst s1;
	(tag) =	ssettag s2;
	_ =	strace s9  }
0x27: {  	s1 =	sld [smem:$0x3FAF]  }
0x28: {  	s2 =	sld [smem:$0x3FB0]  }
0x29: {  	s4 =	sld [smem:$0x3FB2]  }
0x2a: {  	p0 =	seq.s32 s5, $0x0;
	s5 =	sld [smem:$0x3FB3]  }
0x2b: {  	s6 =	sld [smem:$0x3FB4]  }
0x2c: {  	s7 =	sld [smem:$0x3FB5]  }
0x2d: {  	s3 =	simm.s32 $0x108;
	s8 =	sld [smem:$0x3FB6]  }
0x2e: {  	s3 =	simm.s32 @!p0 $0x1082;
	s9 =	sld [smem:$0x3FB7]  }
0x2f: {  	lr =	sadd.s32 s0, s3;
	s0 =	sld [smem:$0x3FAE]  }
0x30: {  	s3 =	sld [smem:$0x3FB1]  }
0x31: {  	[smem:$0x3FBA] =	sst s10  }
0x32: {  	s10 =	sld [smem:$0x3FB8];
	_ =	sdelay $0x3  }
0x33: {  	p0 =	seq.s32 s10, $0x1;
	s10 =	sld [smem:$0x3FBA];
	_ =	sdelay $0x3  }
0x34: {  	[smem:$0x3FBA] =	sst s10  }
0x35: {  	s10 =	sld [smem:$0x3FB9];
	_ =	sdelay $0x3  }
0x36: {  	p1 =	seq.s32 s10, $0x1;
	s10 =	sld [smem:$0x3FBA];
	_ =	sdelay $0x3  }
0x37: {  	[smem:$0x3FBA] =	sst s10  }
0x38: {  	s10 =	sld [smem:$0x3FBB]  }
0x39: {  	_ = 	snop;
	(pc) =	sbr.ind lr, $3  }
0x3a: {  	_ = 	snop  }
0x3b: {  	_ = 	snop  }
0x3c: {  	p2 =	seq.s32 s10, $0x1;
	s10 =	sld [smem:$0x3FBA]  }
0x3d: {  	_ =	shalt  }
0x3e: {  	_ =	shalt  }
0x3f: {  	_ =	shalt  }
0x40: {  	_ =	shalt  }
0x41: {  	_ =	shalt  }
0x42: {  	_ =	shalt  }
0x43: {  	_ =	shalt  }
0x44: {  	_ =	shalt  }
0x45: {  	_ =	shalt  }
0x46: {  	_ =	shalt  }
0x47: {  	_ =	shalt  }
0x48: {  	_ =	shalt  }
0x49: {  	_ =	shalt  }
0x4a: {  	_ =	shalt  }
0x4b: {  	_ =	shalt  }
0x4c: {  	_ =	shalt  }
0x4d: {  	_ =	shalt  }
0x4e: {  	_ =	shalt  }
0x4f: {  	_ =	shalt  }
0x50: {  	_ =	shalt  }
0x51: {  	_ =	shalt  }
0x52: {  	_ =	shalt  }
0x53: {  	_ =	shalt  }
0x54: {  	_ =	shalt  }
0x55: {  	_ =	shalt  }
0x56: {  	_ =	shalt  }
0x57: {  	_ =	shalt  }
0x58: {  	_ =	shalt  }
0x59: {  	_ =	shalt  }
0x5a: {  	_ =	shalt  }
0x5b: {  	_ =	shalt  }
0x5c: {  	_ =	shalt  }
0x5d: {  	_ =	shalt  }
0x5e: {  	_ =	shalt  }
0x5f: {  	_ =	shalt  }
0x60: {  	_ =	shalt  }
0x61: {  	_ =	shalt  }
0x62: {  	_ =	shalt  }
0x63: {  	_ =	shalt  }
0x64: {  	_ =	shalt  }
0x65: {  	_ =	shalt  }
0x66: {  	_ =	shalt  }
0x67: {  	_ =	shalt  }
0x68: {  	_ =	shalt  }
0x69: {  	_ =	shalt  }
0x6a: {  	_ =	shalt  }
0x6b: {  	_ =	shalt  }
0x6c: {  	_ =	shalt  }
0x6d: {  	_ =	shalt  }
0x6e: {  	_ =	shalt  }
0x6f: {  	_ =	shalt  }
0x70: {  	_ =	shalt  }
0x71: {  	_ =	shalt  }
0x72: {  	_ =	shalt  }
0x73: {  	_ =	shalt  }
0x74: {  	_ =	shalt  }
0x75: {  	_ =	shalt  }
0x76: {  	_ =	shalt  }
0x77: {  	_ =	shalt  }
0x78: {  	_ =	shalt  }
0x79: {  	_ =	shalt  }
0x7a: {  	_ =	shalt  }
0x7b: {  	_ =	shalt  }
0x7c: {  	_ =	shalt  }
0x7d: {  	_ =	shalt  }
0x7e: {  	_ =	shalt  }
0x7f: {  	_ =	shalt  }
0x80: {  	_ =	shalt  }
0x81: {  	_ =	shalt  }
0x82: {  	_ =	shalt  }
0x83: {  	_ =	shalt  }
0x84: {  	_ =	shalt  }
0x85: {  	_ =	shalt  }
0x86: {  	_ =	shalt  }
0x87: {  	_ =	shalt  }
.Lfunc_end0:
.L_simem_size_0:
called_computation_lowered:
.L_overlay_start_0:
0x88: {  	s2 =	sld [smem:$0x3FD9]  }
0x89: {  	s3 =	sld [smem:$0x3FFE];
	_ =	sdelay $0x1  }
0x8a: {  	s1 =	srdreg.scid  }
0x8b: {  	s0 =	sand.u32 $0x1, s1  }
0x8c: {  	s17 =	sshll.u32 s0, $0xA;
	s2 =	sadd.s32 s3, s2  }
0x8d: {  	s2 =	sadd.s32 s2, s17  }
0x8e: {  	[smem:$0x3FC6] =	sst s2  }
0x8f: {  	_ = 	snop  }
0x90: {  	s2 =	sld [smem:$0x3FC8];
	(tm) =	ssettm $0x1  }
0x91: {  	s18 =	sld [smem:$0x3FFB];
	_ =	sdelay $0x3  }
0x92: {  	_ =	strace s18  }
0x93: {  	s3 =	sld [smem:$0x3FFC];
	_ =	sdelay $0x3  }
0x94: {  	_ =	strace s3  }
0x95: {  	s3 =	sld [smem:$0x3FFD];
	_ =	sdelay $0x3  }
0x96: {  	_ =	strace s3  }
0x97: {  	_ =	strace $0x8FFFFFFF  }
0x98: {  	s19 =	sld [smem:$0x3FDB];
	_ =	sdelay $0x1  }
0x99: {  	s4 =	simm.s32 $_scs_section_size  }
0x9a: {  	s5 =	simm.s32 $_size__tile_overlayer_lowered;
	s6 =	simm.s32 $_tile_overlayer_lowered  }
0x9b: {  	s22 =	simm.s32 $0x1BFF;
	s21 =	sshll.u32 s6, $0x1;
	s3 =	sadd.s32 s4, s19  }
0x9c: {  	s7 =	simm.s32 $0x0;
	s20 =	sshll.u32 s5, $0x1;
	s5 =	sadd.s32 s21, s3  }
0x9d: {  	[timem:s7], [sflag:s22] =	dma.local [hbm:s5], s20  }
0x9e: {  	_ =	swait.ge [sflag:s22], s20  }
0x9f: {  	s4 =	ssub.s32 $0x0, s20;
	[sflag:s22] =	ssyncset.done $0x0  }
0xa0: {  	[sflag:s22] =	ssyncadd.s32 s4;
	_ =	sdelay $0x1  }
0xa1: {  	s23 =	simm.s32 $0x1B8B  }
0xa2: {  	_ =	swait.ge [sflag:s23], $0x1  }
0xa3: {  	[sflag:s23] =	ssyncset.done $0x0  }
0xa4: {  	s25 =	simm.s32 $0x1B8E;
	s24 =	sld [smem:$0x3FFE];
	[sflag:s23] =	ssyncadd.s32 $0xFFFFFFFF  }
0xa5: {  	s26 =	simm.s32 $execute0_lowered;
	[smem:$0x3FD2] =	sst s25  }
0xa6: {  	s5 =	sshll.u32 s26, $0x1;
	_ =	strace $0x80000046;
	[dreg:$0x1] =	wrdreg $0xFFFFFFFF  }
0xa7: {  	s28 =	simm.s32 $_size_execute0_lowered;
	s3 =	sadd.s32 s3, s5;
	[dreg:$0x0] =	wrdreg $0x0  }
0xa8: {  	s5 =	sshll.u32 s28, $0x1;
	[dreg:$0x2] =	wrdreg s3  }
0xa9: {  	[dreg:$0x3] =	wrdreg s5  }
0xaa: {  	[dreg:$0x4] =	wrdreg $0xC0  }
0xab: {  	_ =	task [dreg:s7], $0x5FFFF  }
0xac: {  	[dreg:$0x1] =	wrdreg $0xFFFFFFFF  }
0xad: {  	[dreg:$0x0] =	wrdreg $0x60  }
0xae: {  	[dreg:$0x2] =	wrdreg s2  }
0xaf: {  	[dreg:$0x3] =	wrdreg s24  }
0xb0: {  	[dreg:$0x4] =	wrdreg $0x9  }
0xb1: {  	_ =	task.clear_ibuf [dreg:s7], $0x5FFFF;
	_ =	strace $0x90000046  }
0xb2: {  	s29 =	simm.s32 $0x9;
	_ =	strace $0x80000048  }
0xb3: {  	_ =	swait.ge [sflag:s29], $0x1  }
0xb4: {  	[sflag:s29] =	ssyncadd.s32 $0xFFFFFFFF  }
0xb5: {  	_ =	strace $0x90000048  }
0xb6: {  	_ =	sfence  }
0xb7: {  	s30 =	sld [smem:$0x0];
	_ =	sdelay $0x2  }
0xb8: {  	s31 =	sshll.u32 s1, $0xD;
	s1 =	sshrl.u32 s1, $0x2  }
0xb9: {  	s3 =	sand.u32 $0x4000, s31;
	s1 =	sadd.s32 s1, s30  }
0xba: {  	s0 =	sor.u32 s3, s0;
	s1 =	sshll.u32 s1, $0x11  }
0xbb: {  	s0 =	sor.u32 s1, s0  }
0xbc: {  	s0 =	sadd.s32 $0x8F2B, s0  }
0xbd: {  	[sflag:s0] =	ssyncadd.remote.s32 $0x1  }
0xbe: {  	_ =	sfence.sel $0xFFFF  }
0xbf: {  	[dreg:$0x0] =	wrdreg $0xFFFFFFFF;
	(pc) =	sbr.abs _section_cstart, $3  }
0xc0: {  	[dreg:$0x1] =	wrdreg $0xFFFFFFFF  }
0xc1: {  	_ =	task.clear_ibuf [dreg:s7], $0x2FFFF;
	_ =	strace $0x9FFFFFFF  }
0xc2: {  	(tm) =	ssettm $0x7FFFFFFF  }
0xc3: {  	_ =	shalt  }
tec
execute0_lowered:
.L_overlay_start_1:
0x0: {  	(tag) =	ssettag $0x1  }
0x1: {  	s1 =	srdreg.scid;
	s2 =	rddreg [dreg:$0x0]  }
0x2: {  	s0 =	stileid.u32;
	s5 =	rddreg [dreg:$0x1]  }
0x3: {  	s18 =	simm.s32 $0x900;
	s19 =	simm.s32 $0x1100;
	s20 =	simm.s32 $0x1900  }
0x4: {  	s21 =	simm.s32 $0x2100;
	s23 =	simm.s32 $0x2900;
	s24 =	simm.s32 $0x3100  }
0x5: {  	s25 =	simm.s32 $0x3900;
	s26 =	simm.s32 $0x4100;
	s8 =	simm.s32 $0x5100  }
0x6: {  	s9 =	simm.s32 $0x5900;
	s10 =	simm.s32 $0x6100;
	s1 =	sand.u32 $0x1, s1  }
0x7: {  	s11 =	simm.s32 $0x6900;
	s3 =	sshll.u32 s0, $0x9;
	s4 =	sshll.u32 s1, $0x8  }
0x8: {  	s12 =	simm.s32 $0x7100;
	s4 =	sor.u32 s4, s3;
	s3 =	simm.s32 $0x0  }
0x9: {  	s13 =	simm.s32 $0x7900;
	s14 =	simm.s32 $0x8100;
	[smem:$0x7FF] =	sst s3  }
0xa: {  	s15 =	simm.s32 $0x8900;
	_ =	strace $0x80000047;
	[dreg:$0x6] =	wrdreg s18  }
0xb: {  	s28 =	simm.s32 $0xE900;
	s29 =	simm.s32 $0xF100;
	[dreg:$0x7] =	wrdreg s19  }
0xc: {  	s30 =	simm.s32 $0xF900;
	s1 =	ssub.s32 $0x2, s1;
	[dreg:$0x8] =	wrdreg s20  }
0xd: {  	s31 =	simm.s32 $0x1;
	s22 =	sshrl.u32 s1, $0x1;
	[dreg:$0x9] =	wrdreg s21  }
0xe: {  	s6 =	sshrl.u32 s4, $0x3;
	s4 =	sshll.u32 s4, $0x5;
	[dreg:$0xa] =	wrdreg s23  }
0xf: {  	s1 =	ssub.s32 s1, s22;
	s22 =	simm.s32 $0xC100;
	[dreg:$0xb] =	wrdreg s24  }
0x10: {  	s6 =	sadd.s32 s6, s5;
	s4 =	sadd.s32 s4, s5;
	[dreg:$0xc] =	wrdreg s25  }
0x11: {  	s5 =	simm.s32 $0x3;
	[dreg:$0xd] =	wrdreg s26;
	s18 =	simm.s32 $0xA100  }
0x12: {  	s19 =	simm.s32 $0xA900;
	s20 =	simm.s32 $0xB100;
	s21 =	simm.s32 $0xB900  }
0x13: {  	s23 =	simm.s32 $0xC900;
	s24 =	simm.s32 $0xD100;
	s16 =	sadd.s32 $0x2800, s6  }
0x14: {  	s25 =	simm.s32 $0xD900;
	s17 =	sadd.s32 $0x2C00, s4;
	[dreg:$0x3] =	wrdreg s16  }
0x15: {  	v2 =	vlaneseq.u32;
	s26 =	simm.s32 $0xE100;
	s4 =	sadd.s32 $0x3C00, s4;
	[dreg:$0x4] =	wrdreg s17  }
0x16: {  	vm0 =	vmmov $0xffff;
	v1 =	vshrl.u32 v2, $0x3;
	s6 =	simm.s32 $0x100;
	[dreg:$0x5] =	wrdreg s4;
	s4 =	smax.u32 s1, $0x1  }
0x17: {  	v0 =	vand.u32 $0x7, v2;
	v2 =	vor.u32 $0x8, v2;
	v1 =	vmul.u32 $0x8, v1;
	s16 =	simm.s32 $0x9100;
	s17 =	simm.s32 $0x9900;
	s1 =	simm.s32 $0x2  }
.LBB2_1:
0x18: {  	s0 =	rddreg [dreg:$0x3]  }
0x19: {  	[tilespmem:s3], [sflag:$0x3] =	stream.linear.gather [hbm4b:s0+s3], $0x100, $0x38;
	[tilespmem:$0x10100] =	vst v63  }
0x1a: {  	_ =	swait.ge [sflag:s5], $0x100  }
0x1b: {  	[sflag:s5] =	ssyncset.done $0x0  }
0x1c: {  	[sflag:s5] =	ssyncadd.s32 $0xFFFFFF00  }
0x1d: {  	v3 =	vld [tilespmem:$0x0];
	_ =	sdelay $0x4  }
0x1e: {  	v4 =	vshll.u32 v3, $0x1  }
0x1f: {  	v3 =	vand.u32 $0x7, v3;
	v4 =	vand.u32 $0xFFFFFFF0, v4  }
0x20: {  	v3 =	vor.u32 v3, v4  }
0x21: {  	v4 =	vperm.xlane v3, v0;
	_ =	sdelay $0x1  }
0x22: {  	v3 =	vperm.xlane v3, v2;
	v4 =	vadd.s32 v1, v4;
	_ =	sdelay $0x1  }
0x23: {  	v3 =	vadd.s32 v1, v3;
	_ =	sdelay $0x2  }
0x24: {  	[tilespmem:s6], [sflag:$0x1] =	stream.indirect_vreg.gather [hbm4b:s2+s3], $0x80, v4, vm0, $0xb8;
	[tilespmem:$0x10100] =	vst v63  }
0x25: {  	s7 =	rddreg [dreg:$0x6]  }
0x26: {  	[tilespmem:s7], [sflag:$0x1] =	stream.indirect_vreg.gather [hbm4b:s2+s3], $0x80, v3, vm0, $0xb8;
	[tilespmem:$0x10100] =	vst v63  }
0x27: {  	v3 =	vld [tilespmem:$0x10];
	_ =	sdelay $0x4  }
0x28: {  	v49 =	vshll.u32 v3, $0x1  }
0x29: {  	v3 =	vand.u32 $0x7, v3;
	v4 =	vand.u32 $0xFFFFFFF0, v49  }
0x2a: {  	v3 =	vor.u32 v3, v4  }
0x2b: {  	v4 =	vperm.xlane v3, v0;
	_ =	sdelay $0x1  }
0x2c: {  	v3 =	vperm.xlane v3, v2;
	v4 =	vadd.s32 v1, v4;
	_ =	sdelay $0x1  }
0x2d: {  	v3 =	vadd.s32 v1, v3;
	_ =	sdelay $0x1  }
0x2e: {  	s0 =	rddreg [dreg:$0x7]  }
0x2f: {  	[tilespmem:s0], [sflag:$0x1] =	stream.indirect_vreg.gather [hbm4b:s2+s3], $0x80, v4, vm0, $0xb8;
	[tilespmem:$0x10100] =	vst v63  }
0x30: {  	s7 =	rddreg [dreg:$0x8]  }
0x31: {  	[tilespmem:s7], [sflag:$0x1] =	stream.indirect_vreg.gather [hbm4b:s2+s3], $0x80, v3, vm0, $0xb8;
	[tilespmem:$0x10100] =	vst v63  }
0x32: {  	v3 =	vld [tilespmem:$0x20];
	_ =	sdelay $0x4  }
0x33: {  	v50 =	vshll.u32 v3, $0x1  }
0x34: {  	v3 =	vand.u32 $0x7, v3;
	v4 =	vand.u32 $0xFFFFFFF0, v50  }
0x35: {  	v3 =	vor.u32 v3, v4  }
0x36: {  	v4 =	vperm.xlane v3, v0;
	_ =	sdelay $0x1  }
0x37: {  	v3 =	vperm.xlane v3, v2;
	v4 =	vadd.s32 v1, v4;
	_ =	sdelay $0x1  }
0x38: {  	v3 =	vadd.s32 v1, v3;
	_ =	sdelay $0x1  }
0x39: {  	s0 =	rddreg [dreg:$0x9]  }
0x3a: {  	[tilespmem:s0], [sflag:$0x1] =	stream.indirect_vreg.gather [hbm4b:s2+s3], $0x80, v4, vm0, $0xb8;
	[tilespmem:$0x10100] =	vst v63  }
0x3b: {  	s7 =	rddreg [dreg:$0xa]  }
0x3c: {  	[tilespmem:s7], [sflag:$0x1] =	stream.indirect_vreg.gather [hbm4b:s2+s3], $0x80, v3, vm0, $0xb8;
	[tilespmem:$0x10100] =	vst v63  }
0x3d: {  	v3 =	vld [tilespmem:$0x30];
	_ =	sdelay $0x4  }
0x3e: {  	v51 =	vshll.u32 v3, $0x1  }
0x3f: {  	v3 =	vand.u32 $0x7, v3;
	v4 =	vand.u32 $0xFFFFFFF0, v51  }
0x40: {  	v3 =	vor.u32 v3, v4  }
0x41: {  	v4 =	vperm.xlane v3, v0;
	_ =	sdelay $0x1  }
0x42: {  	v3 =	vperm.xlane v3, v2;
	v4 =	vadd.s32 v1, v4;
	_ =	sdelay $0x1  }
0x43: {  	v3 =	vadd.s32 v1, v3;
	_ =	sdelay $0x1  }
0x44: {  	s0 =	rddreg [dreg:$0xb]  }
0x45: {  	[tilespmem:s0], [sflag:$0x1] =	stream.indirect_vreg.gather [hbm4b:s2+s3], $0x80, v4, vm0, $0xb8;
	[tilespmem:$0x10100] =	vst v63  }
0x46: {  	s7 =	rddreg [dreg:$0xc]  }
0x47: {  	[tilespmem:s7], [sflag:$0x1] =	stream.indirect_vreg.gather [hbm4b:s2+s3], $0x80, v3, vm0, $0xb8;
	[tilespmem:$0x10100] =	vst v63  }
0x48: {  	v3 =	vld [tilespmem:$0x40];
	_ =	sdelay $0x4  }
0x49: {  	v52 =	vshll.u32 v3, $0x1  }
0x4a: {  	v3 =	vand.u32 $0x7, v3;
	v4 =	vand.u32 $0xFFFFFFF0, v52  }
0x4b: {  	v3 =	vor.u32 v3, v4  }
0x4c: {  	v4 =	vperm.xlane v3, v0;
	_ =	sdelay $0x1  }
0x4d: {  	v3 =	vperm.xlane v3, v2;
	v4 =	vadd.s32 v1, v4;
	_ =	sdelay $0x1  }
0x4e: {  	v3 =	vadd.s32 v1, v3;
	_ =	sdelay $0x1  }
0x4f: {  	s7 =	rddreg [dreg:$0xd]  }
0x50: {  	[tilespmem:s7], [sflag:$0x1] =	stream.indirect_vreg.gather [hbm4b:s2+s3], $0x80, v4, vm0, $0xb8;
	[tilespmem:$0x10100] =	vst v63  }
0x51: {  	s7 =	simm.s32 $0x4900  }
0x52: {  	[tilespmem:s7], [sflag:$0x1] =	stream.indirect_vreg.gather [hbm4b:s2+s3], $0x80, v3, vm0, $0xb8;
	[tilespmem:$0x10100] =	vst v63  }
0x53: {  	v3 =	vld [tilespmem:$0x50];
	_ =	sdelay $0x4  }
0x54: {  	v53 =	vshll.u32 v3, $0x1  }
0x55: {  	v3 =	vand.u32 $0x7, v3;
	v4 =	vand.u32 $0xFFFFFFF0, v53  }
0x56: {  	v3 =	vor.u32 v3, v4  }
0x57: {  	v4 =	vperm.xlane v3, v0;
	_ =	sdelay $0x1  }
0x58: {  	v3 =	vperm.xlane v3, v2;
	v4 =	vadd.s32 v1, v4;
	_ =	sdelay $0x1  }
0x59: {  	v3 =	vadd.s32 v1, v3;
	_ =	sdelay $0x2  }
0x5a: {  	[tilespmem:s8], [sflag:$0x1] =	stream.indirect_vreg.gather [hbm4b:s2+s3], $0x80, v4, vm0, $0xb8;
	[tilespmem:$0x10100] =	vst v63  }
0x5b: {  	_ = 	snop  }
0x5c: {  	[tilespmem:s9], [sflag:$0x1] =	stream.indirect_vreg.gather [hbm4b:s2+s3], $0x80, v3, vm0, $0xb8;
	[tilespmem:$0x10100] =	vst v63  }
0x5d: {  	v3 =	vld [tilespmem:$0x60];
	_ =	sdelay $0x4  }
0x5e: {  	v54 =	vshll.u32 v3, $0x1  }
0x5f: {  	v3 =	vand.u32 $0x7, v3;
	v4 =	vand.u32 $0xFFFFFFF0, v54  }
0x60: {  	v3 =	vor.u32 v3, v4  }
0x61: {  	v4 =	vperm.xlane v3, v0;
	_ =	sdelay $0x1  }
0x62: {  	v3 =	vperm.xlane v3, v2;
	v4 =	vadd.s32 v1, v4;
	_ =	sdelay $0x1  }
0x63: {  	v3 =	vadd.s32 v1, v3;
	_ =	sdelay $0x2  }
0x64: {  	[tilespmem:s10], [sflag:$0x1] =	stream.indirect_vreg.gather [hbm4b:s2+s3], $0x80, v4, vm0, $0xb8;
	[tilespmem:$0x10100] =	vst v63  }
0x65: {  	_ = 	snop  }
0x66: {  	[tilespmem:s11], [sflag:$0x1] =	stream.indirect_vreg.gather [hbm4b:s2+s3], $0x80, v3, vm0, $0xb8;
	[tilespmem:$0x10100] =	vst v63  }
0x67: {  	v3 =	vld [tilespmem:$0x70];
	_ =	sdelay $0x4  }
0x68: {  	v55 =	vshll.u32 v3, $0x1  }
0x69: {  	v3 =	vand.u32 $0x7, v3;
	v4 =	vand.u32 $0xFFFFFFF0, v55  }
0x6a: {  	v3 =	vor.u32 v3, v4  }
0x6b: {  	v4 =	vperm.xlane v3, v0;
	_ =	sdelay $0x1  }
0x6c: {  	v3 =	vperm.xlane v3, v2;
	v4 =	vadd.s32 v1, v4;
	_ =	sdelay $0x1  }
0x6d: {  	v3 =	vadd.s32 v1, v3;
	_ =	sdelay $0x2  }
0x6e: {  	[tilespmem:s12], [sflag:$0x1] =	stream.indirect_vreg.gather [hbm4b:s2+s3], $0x80, v4, vm0, $0xb8;
	[tilespmem:$0x10100] =	vst v63  }
0x6f: {  	_ = 	snop  }
0x70: {  	[tilespmem:s13], [sflag:$0x1] =	stream.indirect_vreg.gather [hbm4b:s2+s3], $0x80, v3, vm0, $0xb8;
	[tilespmem:$0x10100] =	vst v63  }
0x71: {  	v3 =	vld [tilespmem:$0x80];
	_ =	sdelay $0x4  }
0x72: {  	v56 =	vshll.u32 v3, $0x1  }
0x73: {  	v3 =	vand.u32 $0x7, v3;
	v4 =	vand.u32 $0xFFFFFFF0, v56  }
0x74: {  	v3 =	vor.u32 v3, v4  }
0x75: {  	v4 =	vperm.xlane v3, v0;
	_ =	sdelay $0x1  }
0x76: {  	v3 =	vperm.xlane v3, v2;
	v4 =	vadd.s32 v1, v4;
	_ =	sdelay $0x1  }
0x77: {  	v3 =	vadd.s32 v1, v3;
	_ =	sdelay $0x2  }
0x78: {  	[tilespmem:s14], [sflag:$0x2] =	stream.indirect_vreg.gather [hbm4b:s2+s3], $0x80, v4, vm0, $0xb8;
	[tilespmem:$0x10100] =	vst v63  }
0x79: {  	_ = 	snop  }
0x7a: {  	[tilespmem:s15], [sflag:$0x2] =	stream.indirect_vreg.gather [hbm4b:s2+s3], $0x80, v3, vm0, $0xb8;
	[tilespmem:$0x10100] =	vst v63  }
0x7b: {  	v3 =	vld [tilespmem:$0x90];
	_ =	sdelay $0x4  }
0x7c: {  	v57 =	vshll.u32 v3, $0x1  }
0x7d: {  	v3 =	vand.u32 $0x7, v3;
	v4 =	vand.u32 $0xFFFFFFF0, v57  }
0x7e: {  	v3 =	vor.u32 v3, v4  }
0x7f: {  	v4 =	vperm.xlane v3, v0;
	_ =	sdelay $0x1  }
0x80: {  	v3 =	vperm.xlane v3, v2;
	v4 =	vadd.s32 v1, v4;
	_ =	sdelay $0x1  }
0x81: {  	v3 =	vadd.s32 v1, v3;
	_ =	sdelay $0x2  }
0x82: {  	[tilespmem:s16], [sflag:$0x2] =	stream.indirect_vreg.gather [hbm4b:s2+s3], $0x80, v4, vm0, $0xb8;
	[tilespmem:$0x10100] =	vst v63  }
0x83: {  	_ = 	snop  }
0x84: {  	[tilespmem:s17], [sflag:$0x2] =	stream.indirect_vreg.gather [hbm4b:s2+s3], $0x80, v3, vm0, $0xb8;
	[tilespmem:$0x10100] =	vst v63  }
0x85: {  	v3 =	vld [tilespmem:$0xA0];
	_ =	sdelay $0x4  }
0x86: {  	v58 =	vshll.u32 v3, $0x1  }
0x87: {  	v3 =	vand.u32 $0x7, v3;
	v4 =	vand.u32 $0xFFFFFFF0, v58  }
0x88: {  	v3 =	vor.u32 v3, v4  }
0x89: {  	v4 =	vperm.xlane v3, v0;
	_ =	sdelay $0x1  }
0x8a: {  	v3 =	vperm.xlane v3, v2;
	v4 =	vadd.s32 v1, v4;
	_ =	sdelay $0x1  }
0x8b: {  	v3 =	vadd.s32 v1, v3;
	_ =	sdelay $0x2  }
0x8c: {  	[tilespmem:s18], [sflag:$0x2] =	stream.indirect_vreg.gather [hbm4b:s2+s3], $0x80, v4, vm0, $0xb8;
	[tilespmem:$0x10100] =	vst v63  }
0x8d: {  	_ = 	snop  }
0x8e: {  	[tilespmem:s19], [sflag:$0x2] =	stream.indirect_vreg.gather [hbm4b:s2+s3], $0x80, v3, vm0, $0xb8;
	[tilespmem:$0x10100] =	vst v63  }
0x8f: {  	v3 =	vld [tilespmem:$0xB0];
	_ =	sdelay $0x4  }
0x90: {  	v59 =	vshll.u32 v3, $0x1  }
0x91: {  	v3 =	vand.u32 $0x7, v3;
	v4 =	vand.u32 $0xFFFFFFF0, v59  }
0x92: {  	v3 =	vor.u32 v3, v4  }
0x93: {  	v4 =	vperm.xlane v3, v0;
	_ =	sdelay $0x1  }
0x94: {  	v3 =	vperm.xlane v3, v2;
	v4 =	vadd.s32 v1, v4;
	_ =	sdelay $0x1  }
0x95: {  	v3 =	vadd.s32 v1, v3;
	_ =	sdelay $0x2  }
0x96: {  	[tilespmem:s20], [sflag:$0x2] =	stream.indirect_vreg.gather [hbm4b:s2+s3], $0x80, v4, vm0, $0xb8;
	[tilespmem:$0x10100] =	vst v63  }
0x97: {  	_ = 	snop  }
0x98: {  	[tilespmem:s21], [sflag:$0x2] =	stream.indirect_vreg.gather [hbm4b:s2+s3], $0x80, v3, vm0, $0xb8;
	[tilespmem:$0x10100] =	vst v63  }
0x99: {  	v3 =	vld [tilespmem:$0xC0];
	_ =	sdelay $0x4  }
0x9a: {  	v60 =	vshll.u32 v3, $0x1  }
0x9b: {  	v3 =	vand.u32 $0x7, v3;
	v4 =	vand.u32 $0xFFFFFFF0, v60  }
0x9c: {  	v3 =	vor.u32 v3, v4  }
0x9d: {  	v4 =	vperm.xlane v3, v0;
	_ =	sdelay $0x1  }
0x9e: {  	v3 =	vperm.xlane v3, v2;
	v4 =	vadd.s32 v1, v4;
	_ =	sdelay $0x1  }
0x9f: {  	v3 =	vadd.s32 v1, v3;
	_ =	sdelay $0x2  }
0xa0: {  	[tilespmem:s22], [sflag:$0x2] =	stream.indirect_vreg.gather [hbm4b:s2+s3], $0x80, v4, vm0, $0xb8;
	[tilespmem:$0x10100] =	vst v63  }
0xa1: {  	_ = 	snop  }
0xa2: {  	[tilespmem:s23], [sflag:$0x2] =	stream.indirect_vreg.gather [hbm4b:s2+s3], $0x80, v3, vm0, $0xb8;
	[tilespmem:$0x10100] =	vst v63  }
0xa3: {  	v3 =	vld [tilespmem:$0xD0];
	_ =	sdelay $0x4  }
0xa4: {  	v61 =	vshll.u32 v3, $0x1  }
0xa5: {  	v3 =	vand.u32 $0x7, v3;
	v4 =	vand.u32 $0xFFFFFFF0, v61  }
0xa6: {  	v3 =	vor.u32 v3, v4  }
0xa7: {  	v4 =	vperm.xlane v3, v0;
	_ =	sdelay $0x1  }
0xa8: {  	v3 =	vperm.xlane v3, v2;
	v4 =	vadd.s32 v1, v4;
	_ =	sdelay $0x1  }
0xa9: {  	v3 =	vadd.s32 v1, v3;
	_ =	sdelay $0x2  }
0xaa: {  	[tilespmem:s24], [sflag:$0x2] =	stream.indirect_vreg.gather [hbm4b:s2+s3], $0x80, v4, vm0, $0xb8;
	[tilespmem:$0x10100] =	vst v63  }
0xab: {  	_ = 	snop  }
0xac: {  	[tilespmem:s25], [sflag:$0x2] =	stream.indirect_vreg.gather [hbm4b:s2+s3], $0x80, v3, vm0, $0xb8;
	[tilespmem:$0x10100] =	vst v63  }
0xad: {  	v3 =	vld [tilespmem:$0xE0];
	_ =	sdelay $0x4  }
0xae: {  	v62 =	vshll.u32 v3, $0x1  }
0xaf: {  	v3 =	vand.u32 $0x7, v3;
	v4 =	vand.u32 $0xFFFFFFF0, v62  }
0xb0: {  	v3 =	vor.u32 v3, v4  }
0xb1: {  	v4 =	vperm.xlane v3, v0;
	_ =	sdelay $0x1  }
0xb2: {  	v3 =	vperm.xlane v3, v2;
	v4 =	vadd.s32 v1, v4;
	_ =	sdelay $0x1  }
0xb3: {  	v3 =	vadd.s32 v1, v3;
	_ =	sdelay $0x2  }
0xb4: {  	[tilespmem:s26], [sflag:$0x2] =	stream.indirect_vreg.gather [hbm4b:s2+s3], $0x80, v4, vm0, $0xb8;
	[tilespmem:$0x10100] =	vst v63  }
0xb5: {  	_ = 	snop  }
0xb6: {  	[tilespmem:s28], [sflag:$0x2] =	stream.indirect_vreg.gather [hbm4b:s2+s3], $0x80, v3, vm0, $0xb8;
	[tilespmem:$0x10100] =	vst v63  }
0xb7: {  	v3 =	vld [tilespmem:$0xF0];
	_ =	sdelay $0x4  }
0xb8: {  	v63 =	vshll.u32 v3, $0x1  }
0xb9: {  	v3 =	vand.u32 $0x7, v3;
	v4 =	vand.u32 $0xFFFFFFF0, v63  }
0xba: {  	v3 =	vor.u32 v3, v4  }
0xbb: {  	v4 =	vperm.xlane v3, v0;
	_ =	sdelay $0x1  }
0xbc: {  	v3 =	vperm.xlane v3, v2;
	v4 =	vadd.s32 v1, v4;
	_ =	sdelay $0x1  }
0xbd: {  	v3 =	vadd.s32 v1, v3;
	_ =	sdelay $0x2  }
0xbe: {  	[tilespmem:s29], [sflag:$0x2] =	stream.indirect_vreg.gather [hbm4b:s2+s3], $0x80, v4, vm0, $0xb8;
	[tilespmem:$0x10100] =	vst v63  }
0xbf: {  	_ = 	snop  }
0xc0: {  	[tilespmem:s30], [sflag:$0x2] =	stream.indirect_vreg.gather [hbm4b:s2+s3], $0x80, v3, vm0, $0xb8;
	[tilespmem:$0x10100] =	vst v63  }
0xc1: {  	_ =	swait.ge [sflag:s31], $0x8000  }
0xc2: {  	[sflag:s31] =	ssyncset.done $0x0  }
0xc3: {  	s7 =	rddreg [dreg:$0x4];
	[sflag:s31] =	ssyncadd.s32 $0xFFFF8000  }
0xc4: {  	[hbm4b:s7+s3] =	stream.linear.scatter [tilespmem:s6], [sflag:$0x3], $0x8000, $0x38;
	[tilespmem:$0x10100] =	vst v63  }
0xc5: {  	_ =	swait.ge [sflag:s5], $0x8000  }
0xc6: {  	[sflag:s5] =	ssyncset.done $0x0  }
0xc7: {  	[sflag:s5] =	ssyncadd.s32 $0xFFFF8000  }
0xc8: {  	_ =	swait.ge [sflag:s1], $0x8000  }
0xc9: {  	p0 =	sne.s32 s4, $0x1;
	[sflag:s1] =	ssyncset.done $0x0  }
.Ltmp0:
0xca: {  	s7 =	rddreg [dreg:$0x5];
	[sflag:s1] =	ssyncadd.s32 $0xFFFF8000;
	(pc) =	sbr.rel @p0 .LBB2_1-.Ltmp0, $4  }
0xcb: {  	[hbm4b:s7+s3] =	stream.linear.scatter [tilespmem:s14], [sflag:$0x3], $0x8000, $0x38;
	[tilespmem:$0x10100] =	vst v63  }
0xcc: {  	_ =	swait.ge [sflag:s5], $0x8000  }
0xcd: {  	[sflag:s5] =	ssyncset.done $0x0  }
0xce: {  	s4 =	sadd.s32 $0xFFFFFFFF, s4;
	[sflag:s5] =	ssyncadd.s32 $0xFFFF8000  }
0xcf: {  	_ =	sfence.sel $0x180000  }
0xd0: {  	[bflag:$0x0] =	sbarrier.arrive $0xFFFF  }
0xd1: {  	_ =	strace $0x90000047  }
0xd2: {  	s0 =	stileid.u32;
	[bflag:$0x2] =	sbarrier.arrive $0xFFFF  }
0xd3: {  	p0 =	sne.s32 s0, $0x0;
	s0 =	rddreg [dreg:$0x2]  }
0xd4: {  	s0 =	sadd.s32 @!p0 $0x100000, s0  }
0xd5: {  	[sflag:s0] =	ssyncadd.tile.s32 @!p0 $0x1;
	_ =	shalt  }
.Lfunc_end2:
_tile_overlayer_lowered:
.L_overlay_start_2:
0xd6: {  	(tag) =	ssettag $0x2  }
0xd7: {  	s0 =	rddreg [dreg:$0x0];
	s2 =	stileid.u32  }
0xd8: {  	s1 =	rddreg [dreg:$0x1];
	p0 =	sne.s32 s2, $0x0  }
0xd9: {  	s3 =	rddreg [dreg:$0x2];
	[bflag:$0x3] =	sbarrier.arrive $0xFFFF;
	s2 =	simm.s32 @!p0 $0x1C03  }
0xda: {  	[timem:s3], [sflag:s2] =	dma.local @!p0 [hbm:s0], s1  }
0xdb: {  	s0 =	simm.s32 @!p0 $0x3  }
0xdc: {  	_ =	swait.ge @!p0 [sflag:s0], s1  }
0xdd: {  	s1 =	ssub.s32 @!p0 $0x0, s1;
	[sflag:s0] =	ssyncset.done @!p0 $0x0  }
0xde: {  	[sflag:s0] =	ssyncadd.s32 @!p0 s1  }
0xdf: {  	[bflag:$0x3] =	sbarrier.arrive $0xFFFF  }
0xe0: {  	_ =	shalt  }

// kernel: kernel.9.cloned.1.call-start
scs
__scs_entry_jumppad:
0x0: {  	(pc) =	sbr.rel $0x88, $3  }
0x1: {  	(tag) =	ssettag $0x0;
	lr =	simm.s32 $0x1  }
0x2: {  	[smem:$0x3F9F] =	sst lr;
	_ =	strace $0xD0000000  }
0x3: {  	_ = 	snop  }
0x4: {  	_ = 	snop  }
0x5: {  	_ = 	snop  }
0x6: {  	_ = 	snop  }
0x7: {  	_ = 	snop  }
__scs_overlays_trampoline_lowered:
0x8: {  	[smem:$0x3FAE] =	sst s0  }
0x9: {  	[smem:$0x3FAF] =	sst s1  }
0xa: {  	[smem:$0x3FB0] =	sst s2  }
0xb: {  	[smem:$0x3FB1] =	sst s3  }
0xc: {  	[smem:$0x3FB2] =	sst s4  }
0xd: {  	[smem:$0x3FB3] =	sst s5  }
0xe: {  	[smem:$0x3FB4] =	sst s6  }
0xf: {  	[smem:$0x3FB5] =	sst s7  }
0x10: {  	[smem:$0x3FB6] =	sst s8  }
0x11: {  	[smem:$0x3FB7] =	sst s9;
	s0 =	simm.s32 @!p0 $0x0  }
0x12: {  	s1 =	sld [smem:$0x3F9D];
	s0 =	simm.s32 @p0 $0x1  }
0x13: {  	[smem:$0x3FB8] =	sst s0;
	s0 =	simm.s32 @!p1 $0x0  }
0x14: {  	s2 =	sld [smem:$0x3F9C];
	s0 =	simm.s32 @p1 $0x1  }
0x15: {  	[smem:$0x3FB9] =	sst s0;
	s0 =	simm.s32 @!p2 $0x0  }
0x16: {  	s3 =	sld [smem:$0x3FDB];
	s0 =	simm.s32 @p2 $0x1  }
0x17: {  	s4 =	simm.s32 $0x1BF5;
	[smem:$0x3FBB] =	sst s0  }
0x18: {  	s0 =	sld [smem:$0x3F9E];
	_ =	swait.ge [sflag:s4], $0x0  }
0x19: {  	s7 =	sld [smem:$0x3F9F]  }
0x1a: {  	s8 =	sadd.s32 $0xFFFFE003, lr  }
0x1b: {  	s9 =	sadd.s32 $0xFFFFFEF7, lr;
	s5 =	simm.s32 $0xFFFFFFFF;
	p2 =	slt.u32 s8, $0xFFFFF086  }
0x1c: {  	p1 =	slt.u32 s9, $0xF7A;
	s5 =	simm.s32 @!p2 $0x0  }
0x1d: {  	s5 =	simm.s32 @p1 $0x1;
	p0 =	seq.s32 s7, s2  }
0x1e: {  	s7 =	smul.u32 @!p0 $0xF7A, s2;
	p2 =	seq.s32 @!p0 s5, $0x0  }
0x1f: {  	s9 =	smul.u32 $0xF7A, s1;
	s8 =	simm.s32 @!p0 $0x1BF5;
	p2 =	por !p2, p0  }
0x20: {  	[sflag:s8] =	ssyncset.s32 @!p0 $0xFFFFF086;
	s6 =	sadd.s32 @!p0 s3, s7;
	s7 =	simm.s32 @!p0 $0x108  }
0x21: {  	s3 =	sadd.s32 s3, s9;
	s6 =	sadd.s32 @!p0 $0x88, s6;
	s7 =	simm.s32 @p2 $0x1082  }
0x22: {  	[simem:s7], [sflag:s8] =	dma.local @!p0 [hbm:s6], $0xF7A  }
0x23: {  	s9 =	sor.u32 $0xD0000000, s2;
	s6 =	simm.s32 $0x108;
	_ =	swait.ge @!p0 [sflag:s8], $0x0  }
0x24: {  	s3 =	sadd.s32 $0x88, s3;
	s6 =	simm.s32 @!p1 $0x1082;
	[sflag:s4] =	ssyncset.s32 $0xFFFFF086  }
0x25: {  	[simem:s6], [sflag:s4] =	dma.local [hbm:s3], $0xF7A  }
0x26: {  	[smem:$0x3F9F] =	sst s1;
	(tag) =	ssettag s2;
	_ =	strace s9  }
0x27: {  	s1 =	sld [smem:$0x3FAF]  }
0x28: {  	s2 =	sld [smem:$0x3FB0]  }
0x29: {  	s4 =	sld [smem:$0x3FB2]  }
0x2a: {  	p0 =	seq.s32 s5, $0x0;
	s5 =	sld [smem:$0x3FB3]  }
0x2b: {  	s6 =	sld [smem:$0x3FB4]  }
0x2c: {  	s7 =	sld [smem:$0x3FB5]  }
0x2d: {  	s3 =	simm.s32 $0x108;
	s8 =	sld [smem:$0x3FB6]  }
0x2e: {  	s3 =	simm.s32 @!p0 $0x1082;
	s9 =	sld [smem:$0x3FB7]  }
0x2f: {  	lr =	sadd.s32 s0, s3;
	s0 =	sld [smem:$0x3FAE]  }
0x30: {  	s3 =	sld [smem:$0x3FB1]  }
0x31: {  	[smem:$0x3FBA] =	sst s10  }
0x32: {  	s10 =	sld [smem:$0x3FB8];
	_ =	sdelay $0x3  }
0x33: {  	p0 =	seq.s32 s10, $0x1;
	s10 =	sld [smem:$0x3FBA];
	_ =	sdelay $0x3  }
0x34: {  	[smem:$0x3FBA] =	sst s10  }
0x35: {  	s10 =	sld [smem:$0x3FB9];
	_ =	sdelay $0x3  }
0x36: {  	p1 =	seq.s32 s10, $0x1;
	s10 =	sld [smem:$0x3FBA];
	_ =	sdelay $0x3  }
0x37: {  	[smem:$0x3FBA] =	sst s10  }
0x38: {  	s10 =	sld [smem:$0x3FBB]  }
0x39: {  	_ = 	snop;
	(pc) =	sbr.ind lr, $3  }
0x3a: {  	_ = 	snop  }
0x3b: {  	_ = 	snop  }
0x3c: {  	p2 =	seq.s32 s10, $0x1;
	s10 =	sld [smem:$0x3FBA]  }
0x3d: {  	_ =	shalt  }
0x3e: {  	_ =	shalt  }
0x3f: {  	_ =	shalt  }
0x40: {  	_ =	shalt  }
0x41: {  	_ =	shalt  }
0x42: {  	_ =	shalt  }
0x43: {  	_ =	shalt  }
0x44: {  	_ =	shalt  }
0x45: {  	_ =	shalt  }
0x46: {  	_ =	shalt  }
0x47: {  	_ =	shalt  }
0x48: {  	_ =	shalt  }
0x49: {  	_ =	shalt  }
0x4a: {  	_ =	shalt  }
0x4b: {  	_ =	shalt  }
0x4c: {  	_ =	shalt  }
0x4d: {  	_ =	shalt  }
0x4e: {  	_ =	shalt  }
0x4f: {  	_ =	shalt  }
0x50: {  	_ =	shalt  }
0x51: {  	_ =	shalt  }
0x52: {  	_ =	shalt  }
0x53: {  	_ =	shalt  }
0x54: {  	_ =	shalt  }
0x55: {  	_ =	shalt  }
0x56: {  	_ =	shalt  }
0x57: {  	_ =	shalt  }
0x58: {  	_ =	shalt  }
0x59: {  	_ =	shalt  }
0x5a: {  	_ =	shalt  }
0x5b: {  	_ =	shalt  }
0x5c: {  	_ =	shalt  }
0x5d: {  	_ =	shalt  }
0x5e: {  	_ =	shalt  }
0x5f: {  	_ =	shalt  }
0x60: {  	_ =	shalt  }
0x61: {  	_ =	shalt  }
0x62: {  	_ =	shalt  }
0x63: {  	_ =	shalt  }
0x64: {  	_ =	shalt  }
0x65: {  	_ =	shalt  }
0x66: {  	_ =	shalt  }
0x67: {  	_ =	shalt  }
0x68: {  	_ =	shalt  }
0x69: {  	_ =	shalt  }
0x6a: {  	_ =	shalt  }
0x6b: {  	_ =	shalt  }
0x6c: {  	_ =	shalt  }
0x6d: {  	_ =	shalt  }
0x6e: {  	_ =	shalt  }
0x6f: {  	_ =	shalt  }
0x70: {  	_ =	shalt  }
0x71: {  	_ =	shalt  }
0x72: {  	_ =	shalt  }
0x73: {  	_ =	shalt  }
0x74: {  	_ =	shalt  }
0x75: {  	_ =	shalt  }
0x76: {  	_ =	shalt  }
0x77: {  	_ =	shalt  }
0x78: {  	_ =	shalt  }
0x79: {  	_ =	shalt  }
0x7a: {  	_ =	shalt  }
0x7b: {  	_ =	shalt  }
0x7c: {  	_ =	shalt  }
0x7d: {  	_ =	shalt  }
0x7e: {  	_ =	shalt  }
0x7f: {  	_ =	shalt  }
0x80: {  	_ =	shalt  }
0x81: {  	_ =	shalt  }
0x82: {  	_ =	shalt  }
0x83: {  	_ =	shalt  }
0x84: {  	_ =	shalt  }
0x85: {  	_ =	shalt  }
0x86: {  	_ =	shalt  }
0x87: {  	_ =	shalt  }
.Lfunc_end0:
.L_simem_size_0:
called_computation.1_lowered:
.L_overlay_start_0:
0x88: {  	s2 =	sld [smem:$0x3FD9]  }
0x89: {  	s3 =	sld [smem:$0x3FFE];
	_ =	sdelay $0x1  }
0x8a: {  	s1 =	srdreg.scid  }
0x8b: {  	s0 =	sand.u32 $0x1, s1  }
0x8c: {  	s15 =	sshll.u32 s0, $0xA;
	s2 =	sadd.s32 s3, s2  }
0x8d: {  	s2 =	sadd.s32 s2, s15  }
0x8e: {  	[smem:$0x3FC6] =	sst s2  }
0x8f: {  	_ = 	snop  }
0x90: {  	s16 =	sld [smem:$0x3FD0];
	_ =	sdelay $0x2  }
0x91: {  	s4 =	simm.s32 $0xB;
	s5 =	simm.s32 $0x10;
	s2 =	sld [smem:$0x3FC8]  }
0x92: {  	[smem:s5], [sflag:s4] =	dma.local [hbm:s16], $0x1  }
0x93: {  	_ =	swait.eq [sflag:s4], $0x1  }
0x94: {  	[sflag:s4] =	ssyncset.done $0x0  }
0x95: {  	[sflag:s4] =	ssyncadd.s32 $0xFFFFFFFF  }
0x96: {  	s17 =	sld [smem:$0x10];
	(tm) =	ssettm $0x1  }
0x97: {  	s18 =	sld [smem:$0x3FFB];
	_ =	sdelay $0x3  }
0x98: {  	_ =	strace s18  }
0x99: {  	s3 =	sld [smem:$0x3FFC];
	_ =	sdelay $0x3  }
0x9a: {  	_ =	strace s3  }
0x9b: {  	s3 =	sld [smem:$0x3FFD];
	_ =	sdelay $0x3  }
0x9c: {  	_ =	strace s3  }
0x9d: {  	_ =	strace $0x8FFFFFFF  }
0x9e: {  	s19 =	sld [smem:$0x3FDB];
	_ =	sdelay $0x1  }
0x9f: {  	s20 =	simm.s32 $_scs_section_size  }
0xa0: {  	s6 =	simm.s32 $_size__tile_overlayer_lowered;
	s7 =	simm.s32 $_tile_overlayer_lowered  }
0xa1: {  	s8 =	simm.s32 $0x1BFF;
	s21 =	sshll.u32 s7, $0x1;
	s5 =	sadd.s32 s20, s19  }
0xa2: {  	s22 =	simm.s32 $0x0;
	s6 =	sshll.u32 s6, $0x1;
	s7 =	sadd.s32 s21, s5  }
0xa3: {  	[timem:s22], [sflag:s8] =	dma.local [hbm:s7], s6  }
0xa4: {  	_ =	swait.ge [sflag:s8], s6  }
0xa5: {  	s6 =	ssub.s32 $0x0, s6;
	[sflag:s8] =	ssyncset.done $0x0  }
0xa6: {  	[sflag:s8] =	ssyncadd.s32 s6;
	_ =	sdelay $0x1  }
0xa7: {  	s23 =	simm.s32 $0x1B8B  }
0xa8: {  	_ =	swait.ge [sflag:s23], $0x1  }
0xa9: {  	[sflag:s23] =	ssyncset.done $0x0  }
0xaa: {  	[sflag:s23] =	ssyncadd.s32 $0xFFFFFFFF  }
0xab: {  	s6 =	sld [smem:$0x0]  }
0xac: {  	s7 =	sand.u32 $0xFFFFFFFE, s1  }
0xad: {  	p0 =	sne.s32 s1, s7  }
0xae: {  	s7 =	sshll.u32 @p0 s7, $0xE  }
0xaf: {  	s7 =	sadd.s32 @p0 $0x11B8D, s7;
	s8 =	sshll.u32 @p0 s6, $0x11  }
0xb0: {  	s7 =	sor.u32 @p0 s8, s7  }
0xb1: {  	[sflag:s7] =	ssyncadd.remote.s32 @p0 $0x1;
	_ =	sdelay $0x1  }
0xb2: {  	s7 =	simm.s32 @p0 $0x1B8D  }
0xb3: {  	_ =	swait.eq @p0 [sflag:s7], $0x1  }
0xb4: {  	[sflag:s7] =	ssyncadd.s32 @p0 $0xFFFFFFFF  }
0xb5: {  	s8 =	sshll.u32 @!p0 s1, $0xE  }
0xb6: {  	s8 =	sor.u32 @!p0 $0x4000, s8;
	s7 =	simm.s32 @!p0 $0x1B8D  }
0xb7: {  	s6 =	sshll.u32 @!p0 s6, $0x11;
	s8 =	sadd.s32 @!p0 $0x11B8D, s8;
	_ =	swait.eq @!p0 [sflag:s7], $0x1  }
0xb8: {  	s6 =	sor.u32 @!p0 s6, s8;
	[sflag:s7] =	ssyncadd.s32 @!p0 $0xFFFFFFFF  }
0xb9: {  	s25 =	simm.s32 $0x1B8E;
	s24 =	sld [smem:$0x3FFE];
	[sflag:s6] =	ssyncadd.remote.s32 @!p0 $0x1  }
0xba: {  	s26 =	simm.s32 $execute0_lowered;
	[smem:$0x3FD2] =	sst s25  }
0xbb: {  	s7 =	sshll.u32 s26, $0x1;
	_ =	strace $0x80000049;
	[dreg:$0x1] =	wrdreg $0xFFFFFFFF  }
0xbc: {  	s28 =	simm.s32 $_size_execute0_lowered;
	s5 =	sadd.s32 s5, s7;
	[dreg:$0x0] =	wrdreg $0x0  }
0xbd: {  	s7 =	sshll.u32 s28, $0x1;
	[dreg:$0x2] =	wrdreg s5  }
0xbe: {  	[dreg:$0x3] =	wrdreg s7  }
0xbf: {  	[dreg:$0x4] =	wrdreg $0xC0  }
0xc0: {  	_ =	task [dreg:s22], $0x5FFFF  }
0xc1: {  	[dreg:$0x1] =	wrdreg $0xFFFFFFFF  }
0xc2: {  	[dreg:$0x0] =	wrdreg $0x60  }
0xc3: {  	[dreg:$0x2] =	wrdreg s2  }
0xc4: {  	[dreg:$0x3] =	wrdreg s17  }
0xc5: {  	[dreg:$0x4] =	wrdreg s24  }
0xc6: {  	[dreg:$0x5] =	wrdreg $0xA  }
0xc7: {  	_ =	task.clear_ibuf [dreg:s22], $0x6FFFF;
	_ =	strace $0x90000049  }
0xc8: {  	s29 =	simm.s32 $0xA;
	_ =	strace $0x8000004B  }
0xc9: {  	_ =	swait.ge [sflag:s29], $0x1  }
0xca: {  	[sflag:s29] =	ssyncadd.s32 $0xFFFFFFFF  }
0xcb: {  	_ =	strace $0x9000004B  }
0xcc: {  	_ =	sfence  }
0xcd: {  	s30 =	sld [smem:$0x0];
	_ =	sdelay $0x2  }
0xce: {  	s31 =	sshll.u32 s1, $0xD;
	s1 =	sshrl.u32 s1, $0x2  }
0xcf: {  	s4 =	sand.u32 $0x4000, s31;
	s1 =	sadd.s32 s1, s30  }
0xd0: {  	s0 =	sor.u32 s4, s0;
	s1 =	sshll.u32 s1, $0x11  }
0xd1: {  	s0 =	sor.u32 s1, s0  }
0xd2: {  	s0 =	sadd.s32 $0x8F2B, s0  }
0xd3: {  	[sflag:s0] =	ssyncadd.remote.s32 $0x1  }
0xd4: {  	_ =	sfence.sel $0xFFFF  }
0xd5: {  	[dreg:$0x0] =	wrdreg $0xFFFFFFFF;
	(pc) =	sbr.abs _section_cstart, $3  }
0xd6: {  	[dreg:$0x1] =	wrdreg $0xFFFFFFFF  }
0xd7: {  	_ =	task.clear_ibuf [dreg:s22], $0x2FFFF;
	_ =	strace $0x9FFFFFFF  }
0xd8: {  	(tm) =	ssettm $0x7FFFFFFF  }
0xd9: {  	_ =	shalt  }
tec
execute0_lowered:
.L_overlay_start_1:
0x0: {  	(tag) =	ssettag $0x1  }
0x1: {  	s1 =	rddreg [dreg:$0x0];
	s2 =	srdreg.scid  }
0x2: {  	s4 =	rddreg [dreg:$0x1];
	s0 =	stileid.u32  }
0x3: {  	s5 =	rddreg [dreg:$0x2];
	s3 =	simm.s32 $0x0;
	s18 =	simm.s32 $0x900  }
0x4: {  	s19 =	simm.s32 $0x1100;
	s20 =	simm.s32 $0x1900;
	s21 =	simm.s32 $0x2100  }
0x5: {  	s23 =	simm.s32 $0x2900;
	s24 =	simm.s32 $0x3100;
	s25 =	simm.s32 $0x3900  }
0x6: {  	s26 =	simm.s32 $0x4100;
	s8 =	simm.s32 $0x5100;
	[smem:$0x7FF] =	sst s3  }
0x7: {  	s9 =	simm.s32 $0x5900;
	_ =	strace $0x8000004A;
	[dreg:$0x7] =	wrdreg s18  }
0x8: {  	s10 =	simm.s32 $0x6100;
	s11 =	simm.s32 $0x6900;
	[dreg:$0x8] =	wrdreg s19  }
0x9: {  	s12 =	simm.s32 $0x7100;
	s13 =	simm.s32 $0x7900;
	[dreg:$0x9] =	wrdreg s20  }
0xa: {  	s14 =	simm.s32 $0x8100;
	s15 =	simm.s32 $0x8900;
	[dreg:$0xa] =	wrdreg s21  }
0xb: {  	s28 =	simm.s32 $0xE900;
	s29 =	simm.s32 $0xF100;
	[dreg:$0xb] =	wrdreg s23  }
0xc: {  	s30 =	simm.s32 $0xF900;
	s31 =	simm.s32 $0x1;
	[dreg:$0xc] =	wrdreg s24  }
0xd: {  	s2 =	sand.u32 $0x1, s2;
	s6 =	sshll.u32 s0, $0x9;
	[dreg:$0xd] =	wrdreg s25  }
0xe: {  	s7 =	sshll.u32 s2, $0x8;
	s2 =	ssub.s32 $0x2, s2;
	[dreg:$0xe] =	wrdreg s26  }
0xf: {  	s18 =	simm.s32 $0xA100;
	s19 =	simm.s32 $0xA900;
	s20 =	simm.s32 $0xB100  }
0x10: {  	s21 =	simm.s32 $0xB900;
	s23 =	simm.s32 $0xC900;
	s24 =	simm.s32 $0xD100  }
0x11: {  	s25 =	simm.s32 $0xD900;
	s26 =	simm.s32 $0xE100;
	s6 =	sor.u32 s7, s6  }
0x12: {  	s22 =	sshrl.u32 s2, $0x1;
	s7 =	sshll.u32 s6, $0x5;
	s6 =	sshrl.u32 s6, $0x3  }
0x13: {  	s2 =	ssub.s32 s2, s22;
	s22 =	simm.s32 $0xC100;
	s4 =	sadd.s32 s4, s6  }
0x14: {  	s5 =	sadd.s32 s7, s5;
	s6 =	simm.s32 $0x100;
	[dreg:$0x4] =	wrdreg s4  }
0x15: {  	v2 =	vlaneseq.u32;
	s16 =	sadd.s32 $0x42C00, s5;
	s17 =	sadd.s32 $0x43C00, s5;
	s4 =	smax.u32 s2, $0x1  }
0x16: {  	vm0 =	vmmov $0xffff;
	v1 =	vshrl.u32 v2, $0x3;
	s5 =	simm.s32 $0x3;
	s2 =	simm.s32 $0x2;
	[dreg:$0x5] =	wrdreg s16  }
0x17: {  	v0 =	vand.u32 $0x7, v2;
	v2 =	vor.u32 $0x8, v2;
	v1 =	vmul.u32 $0x8, v1;
	[dreg:$0x6] =	wrdreg s17;
	s16 =	simm.s32 $0x9100;
	s17 =	simm.s32 $0x9900  }
.LBB2_1:
0x18: {  	s0 =	rddreg [dreg:$0x4]  }
0x19: {  	[tilespmem:s3], [sflag:$0x3] =	stream.linear.gather [hbm4b:s0+s3], $0x100, $0x38;
	[tilespmem:$0x10100] =	vst v63  }
0x1a: {  	_ =	swait.ge [sflag:s5], $0x100  }
0x1b: {  	[sflag:s5] =	ssyncset.done $0x0  }
0x1c: {  	[sflag:s5] =	ssyncadd.s32 $0xFFFFFF00  }
0x1d: {  	v3 =	vld [tilespmem:$0x0];
	_ =	sdelay $0x4  }
0x1e: {  	v4 =	vshll.u32 v3, $0x1  }
0x1f: {  	v3 =	vand.u32 $0x7, v3;
	v4 =	vand.u32 $0xFFFFFFF0, v4  }
0x20: {  	v3 =	vor.u32 v3, v4  }
0x21: {  	v4 =	vperm.xlane v3, v0;
	_ =	sdelay $0x1  }
0x22: {  	v3 =	vperm.xlane v3, v2;
	v4 =	vadd.s32 v1, v4;
	_ =	sdelay $0x1  }
0x23: {  	v3 =	vadd.s32 v1, v3;
	_ =	sdelay $0x2  }
0x24: {  	[tilespmem:s6], [sflag:$0x1] =	stream.indirect_vreg.gather [hbm4b:s1+s3], $0x80, v4, vm0, $0xb8;
	[tilespmem:$0x10100] =	vst v63  }
0x25: {  	s7 =	rddreg [dreg:$0x7]  }
0x26: {  	[tilespmem:s7], [sflag:$0x1] =	stream.indirect_vreg.gather [hbm4b:s1+s3], $0x80, v3, vm0, $0xb8;
	[tilespmem:$0x10100] =	vst v63  }
0x27: {  	v3 =	vld [tilespmem:$0x10];
	_ =	sdelay $0x4  }
0x28: {  	v49 =	vshll.u32 v3, $0x1  }
0x29: {  	v3 =	vand.u32 $0x7, v3;
	v4 =	vand.u32 $0xFFFFFFF0, v49  }
0x2a: {  	v3 =	vor.u32 v3, v4  }
0x2b: {  	v4 =	vperm.xlane v3, v0;
	_ =	sdelay $0x1  }
0x2c: {  	v3 =	vperm.xlane v3, v2;
	v4 =	vadd.s32 v1, v4;
	_ =	sdelay $0x1  }
0x2d: {  	v3 =	vadd.s32 v1, v3;
	_ =	sdelay $0x1  }
0x2e: {  	s0 =	rddreg [dreg:$0x8]  }
0x2f: {  	[tilespmem:s0], [sflag:$0x1] =	stream.indirect_vreg.gather [hbm4b:s1+s3], $0x80, v4, vm0, $0xb8;
	[tilespmem:$0x10100] =	vst v63  }
0x30: {  	s7 =	rddreg [dreg:$0x9]  }
0x31: {  	[tilespmem:s7], [sflag:$0x1] =	stream.indirect_vreg.gather [hbm4b:s1+s3], $0x80, v3, vm0, $0xb8;
	[tilespmem:$0x10100] =	vst v63  }
0x32: {  	v3 =	vld [tilespmem:$0x20];
	_ =	sdelay $0x4  }
0x33: {  	v50 =	vshll.u32 v3, $0x1  }
0x34: {  	v3 =	vand.u32 $0x7, v3;
	v4 =	vand.u32 $0xFFFFFFF0, v50  }
0x35: {  	v3 =	vor.u32 v3, v4  }
0x36: {  	v4 =	vperm.xlane v3, v0;
	_ =	sdelay $0x1  }
0x37: {  	v3 =	vperm.xlane v3, v2;
	v4 =	vadd.s32 v1, v4;
	_ =	sdelay $0x1  }
0x38: {  	v3 =	vadd.s32 v1, v3;
	_ =	sdelay $0x1  }
0x39: {  	s0 =	rddreg [dreg:$0xa]  }
0x3a: {  	[tilespmem:s0], [sflag:$0x1] =	stream.indirect_vreg.gather [hbm4b:s1+s3], $0x80, v4, vm0, $0xb8;
	[tilespmem:$0x10100] =	vst v63  }
0x3b: {  	s7 =	rddreg [dreg:$0xb]  }
0x3c: {  	[tilespmem:s7], [sflag:$0x1] =	stream.indirect_vreg.gather [hbm4b:s1+s3], $0x80, v3, vm0, $0xb8;
	[tilespmem:$0x10100] =	vst v63  }
0x3d: {  	v3 =	vld [tilespmem:$0x30];
	_ =	sdelay $0x4  }
0x3e: {  	v51 =	vshll.u32 v3, $0x1  }
0x3f: {  	v3 =	vand.u32 $0x7, v3;
	v4 =	vand.u32 $0xFFFFFFF0, v51  }
0x40: {  	v3 =	vor.u32 v3, v4  }
0x41: {  	v4 =	vperm.xlane v3, v0;
	_ =	sdelay $0x1  }
0x42: {  	v3 =	vperm.xlane v3, v2;
	v4 =	vadd.s32 v1, v4;
	_ =	sdelay $0x1  }
0x43: {  	v3 =	vadd.s32 v1, v3;
	_ =	sdelay $0x1  }
0x44: {  	s0 =	rddreg [dreg:$0xc]  }
0x45: {  	[tilespmem:s0], [sflag:$0x1] =	stream.indirect_vreg.gather [hbm4b:s1+s3], $0x80, v4, vm0, $0xb8;
	[tilespmem:$0x10100] =	vst v63  }
0x46: {  	s7 =	rddreg [dreg:$0xd]  }
0x47: {  	[tilespmem:s7], [sflag:$0x1] =	stream.indirect_vreg.gather [hbm4b:s1+s3], $0x80, v3, vm0, $0xb8;
	[tilespmem:$0x10100] =	vst v63  }
0x48: {  	v3 =	vld [tilespmem:$0x40];
	_ =	sdelay $0x4  }
0x49: {  	v52 =	vshll.u32 v3, $0x1  }
0x4a: {  	v3 =	vand.u32 $0x7, v3;
	v4 =	vand.u32 $0xFFFFFFF0, v52  }
0x4b: {  	v3 =	vor.u32 v3, v4  }
0x4c: {  	v4 =	vperm.xlane v3, v0;
	_ =	sdelay $0x1  }
0x4d: {  	v3 =	vperm.xlane v3, v2;
	v4 =	vadd.s32 v1, v4;
	_ =	sdelay $0x1  }
0x4e: {  	v3 =	vadd.s32 v1, v3;
	_ =	sdelay $0x1  }
0x4f: {  	s7 =	rddreg [dreg:$0xe]  }
0x50: {  	[tilespmem:s7], [sflag:$0x1] =	stream.indirect_vreg.gather [hbm4b:s1+s3], $0x80, v4, vm0, $0xb8;
	[tilespmem:$0x10100] =	vst v63  }
0x51: {  	s7 =	simm.s32 $0x4900  }
0x52: {  	[tilespmem:s7], [sflag:$0x1] =	stream.indirect_vreg.gather [hbm4b:s1+s3], $0x80, v3, vm0, $0xb8;
	[tilespmem:$0x10100] =	vst v63  }
0x53: {  	v3 =	vld [tilespmem:$0x50];
	_ =	sdelay $0x4  }
0x54: {  	v53 =	vshll.u32 v3, $0x1  }
0x55: {  	v3 =	vand.u32 $0x7, v3;
	v4 =	vand.u32 $0xFFFFFFF0, v53  }
0x56: {  	v3 =	vor.u32 v3, v4  }
0x57: {  	v4 =	vperm.xlane v3, v0;
	_ =	sdelay $0x1  }
0x58: {  	v3 =	vperm.xlane v3, v2;
	v4 =	vadd.s32 v1, v4;
	_ =	sdelay $0x1  }
0x59: {  	v3 =	vadd.s32 v1, v3;
	_ =	sdelay $0x2  }
0x5a: {  	[tilespmem:s8], [sflag:$0x1] =	stream.indirect_vreg.gather [hbm4b:s1+s3], $0x80, v4, vm0, $0xb8;
	[tilespmem:$0x10100] =	vst v63  }
0x5b: {  	_ = 	snop  }
0x5c: {  	[tilespmem:s9], [sflag:$0x1] =	stream.indirect_vreg.gather [hbm4b:s1+s3], $0x80, v3, vm0, $0xb8;
	[tilespmem:$0x10100] =	vst v63  }
0x5d: {  	v3 =	vld [tilespmem:$0x60];
	_ =	sdelay $0x4  }
0x5e: {  	v54 =	vshll.u32 v3, $0x1  }
0x5f: {  	v3 =	vand.u32 $0x7, v3;
	v4 =	vand.u32 $0xFFFFFFF0, v54  }
0x60: {  	v3 =	vor.u32 v3, v4  }
0x61: {  	v4 =	vperm.xlane v3, v0;
	_ =	sdelay $0x1  }
0x62: {  	v3 =	vperm.xlane v3, v2;
	v4 =	vadd.s32 v1, v4;
	_ =	sdelay $0x1  }
0x63: {  	v3 =	vadd.s32 v1, v3;
	_ =	sdelay $0x2  }
0x64: {  	[tilespmem:s10], [sflag:$0x1] =	stream.indirect_vreg.gather [hbm4b:s1+s3], $0x80, v4, vm0, $0xb8;
	[tilespmem:$0x10100] =	vst v63  }
0x65: {  	_ = 	snop  }
0x66: {  	[tilespmem:s11], [sflag:$0x1] =	stream.indirect_vreg.gather [hbm4b:s1+s3], $0x80, v3, vm0, $0xb8;
	[tilespmem:$0x10100] =	vst v63  }
0x67: {  	v3 =	vld [tilespmem:$0x70];
	_ =	sdelay $0x4  }
0x68: {  	v55 =	vshll.u32 v3, $0x1  }
0x69: {  	v3 =	vand.u32 $0x7, v3;
	v4 =	vand.u32 $0xFFFFFFF0, v55  }
0x6a: {  	v3 =	vor.u32 v3, v4  }
0x6b: {  	v4 =	vperm.xlane v3, v0;
	_ =	sdelay $0x1  }
0x6c: {  	v3 =	vperm.xlane v3, v2;
	v4 =	vadd.s32 v1, v4;
	_ =	sdelay $0x1  }
0x6d: {  	v3 =	vadd.s32 v1, v3;
	_ =	sdelay $0x2  }
0x6e: {  	[tilespmem:s12], [sflag:$0x1] =	stream.indirect_vreg.gather [hbm4b:s1+s3], $0x80, v4, vm0, $0xb8;
	[tilespmem:$0x10100] =	vst v63  }
0x6f: {  	_ = 	snop  }
0x70: {  	[tilespmem:s13], [sflag:$0x1] =	stream.indirect_vreg.gather [hbm4b:s1+s3], $0x80, v3, vm0, $0xb8;
	[tilespmem:$0x10100] =	vst v63  }
0x71: {  	v3 =	vld [tilespmem:$0x80];
	_ =	sdelay $0x4  }
0x72: {  	v56 =	vshll.u32 v3, $0x1  }
0x73: {  	v3 =	vand.u32 $0x7, v3;
	v4 =	vand.u32 $0xFFFFFFF0, v56  }
0x74: {  	v3 =	vor.u32 v3, v4  }
0x75: {  	v4 =	vperm.xlane v3, v0;
	_ =	sdelay $0x1  }
0x76: {  	v3 =	vperm.xlane v3, v2;
	v4 =	vadd.s32 v1, v4;
	_ =	sdelay $0x1  }
0x77: {  	v3 =	vadd.s32 v1, v3;
	_ =	sdelay $0x2  }
0x78: {  	[tilespmem:s14], [sflag:$0x2] =	stream.indirect_vreg.gather [hbm4b:s1+s3], $0x80, v4, vm0, $0xb8;
	[tilespmem:$0x10100] =	vst v63  }
0x79: {  	_ = 	snop  }
0x7a: {  	[tilespmem:s15], [sflag:$0x2] =	stream.indirect_vreg.gather [hbm4b:s1+s3], $0x80, v3, vm0, $0xb8;
	[tilespmem:$0x10100] =	vst v63  }
0x7b: {  	v3 =	vld [tilespmem:$0x90];
	_ =	sdelay $0x4  }
0x7c: {  	v57 =	vshll.u32 v3, $0x1  }
0x7d: {  	v3 =	vand.u32 $0x7, v3;
	v4 =	vand.u32 $0xFFFFFFF0, v57  }
0x7e: {  	v3 =	vor.u32 v3, v4  }
0x7f: {  	v4 =	vperm.xlane v3, v0;
	_ =	sdelay $0x1  }
0x80: {  	v3 =	vperm.xlane v3, v2;
	v4 =	vadd.s32 v1, v4;
	_ =	sdelay $0x1  }
0x81: {  	v3 =	vadd.s32 v1, v3;
	_ =	sdelay $0x2  }
0x82: {  	[tilespmem:s16], [sflag:$0x2] =	stream.indirect_vreg.gather [hbm4b:s1+s3], $0x80, v4, vm0, $0xb8;
	[tilespmem:$0x10100] =	vst v63  }
0x83: {  	_ = 	snop  }
0x84: {  	[tilespmem:s17], [sflag:$0x2] =	stream.indirect_vreg.gather [hbm4b:s1+s3], $0x80, v3, vm0, $0xb8;
	[tilespmem:$0x10100] =	vst v63  }
0x85: {  	v3 =	vld [tilespmem:$0xA0];
	_ =	sdelay $0x4  }
0x86: {  	v58 =	vshll.u32 v3, $0x1  }
0x87: {  	v3 =	vand.u32 $0x7, v3;
	v4 =	vand.u32 $0xFFFFFFF0, v58  }
0x88: {  	v3 =	vor.u32 v3, v4  }
0x89: {  	v4 =	vperm.xlane v3, v0;
	_ =	sdelay $0x1  }
0x8a: {  	v3 =	vperm.xlane v3, v2;
	v4 =	vadd.s32 v1, v4;
	_ =	sdelay $0x1  }
0x8b: {  	v3 =	vadd.s32 v1, v3;
	_ =	sdelay $0x2  }
0x8c: {  	[tilespmem:s18], [sflag:$0x2] =	stream.indirect_vreg.gather [hbm4b:s1+s3], $0x80, v4, vm0, $0xb8;
	[tilespmem:$0x10100] =	vst v63  }
0x8d: {  	_ = 	snop  }
0x8e: {  	[tilespmem:s19], [sflag:$0x2] =	stream.indirect_vreg.gather [hbm4b:s1+s3], $0x80, v3, vm0, $0xb8;
	[tilespmem:$0x10100] =	vst v63  }
0x8f: {  	v3 =	vld [tilespmem:$0xB0];
	_ =	sdelay $0x4  }
0x90: {  	v59 =	vshll.u32 v3, $0x1  }
0x91: {  	v3 =	vand.u32 $0x7, v3;
	v4 =	vand.u32 $0xFFFFFFF0, v59  }
0x92: {  	v3 =	vor.u32 v3, v4  }
0x93: {  	v4 =	vperm.xlane v3, v0;
	_ =	sdelay $0x1  }
0x94: {  	v3 =	vperm.xlane v3, v2;
	v4 =	vadd.s32 v1, v4;
	_ =	sdelay $0x1  }
0x95: {  	v3 =	vadd.s32 v1, v3;
	_ =	sdelay $0x2  }
0x96: {  	[tilespmem:s20], [sflag:$0x2] =	stream.indirect_vreg.gather [hbm4b:s1+s3], $0x80, v4, vm0, $0xb8;
	[tilespmem:$0x10100] =	vst v63  }
0x97: {  	_ = 	snop  }
0x98: {  	[tilespmem:s21], [sflag:$0x2] =	stream.indirect_vreg.gather [hbm4b:s1+s3], $0x80, v3, vm0, $0xb8;
	[tilespmem:$0x10100] =	vst v63  }
0x99: {  	v3 =	vld [tilespmem:$0xC0];
	_ =	sdelay $0x4  }
0x9a: {  	v60 =	vshll.u32 v3, $0x1  }
0x9b: {  	v3 =	vand.u32 $0x7, v3;
	v4 =	vand.u32 $0xFFFFFFF0, v60  }
0x9c: {  	v3 =	vor.u32 v3, v4  }
0x9d: {  	v4 =	vperm.xlane v3, v0;
	_ =	sdelay $0x1  }
0x9e: {  	v3 =	vperm.xlane v3, v2;
	v4 =	vadd.s32 v1, v4;
	_ =	sdelay $0x1  }
0x9f: {  	v3 =	vadd.s32 v1, v3;
	_ =	sdelay $0x2  }
0xa0: {  	[tilespmem:s22], [sflag:$0x2] =	stream.indirect_vreg.gather [hbm4b:s1+s3], $0x80, v4, vm0, $0xb8;
	[tilespmem:$0x10100] =	vst v63  }
0xa1: {  	_ = 	snop  }
0xa2: {  	[tilespmem:s23], [sflag:$0x2] =	stream.indirect_vreg.gather [hbm4b:s1+s3], $0x80, v3, vm0, $0xb8;
	[tilespmem:$0x10100] =	vst v63  }
0xa3: {  	v3 =	vld [tilespmem:$0xD0];
	_ =	sdelay $0x4  }
0xa4: {  	v61 =	vshll.u32 v3, $0x1  }
0xa5: {  	v3 =	vand.u32 $0x7, v3;
	v4 =	vand.u32 $0xFFFFFFF0, v61  }
0xa6: {  	v3 =	vor.u32 v3, v4  }
0xa7: {  	v4 =	vperm.xlane v3, v0;
	_ =	sdelay $0x1  }
0xa8: {  	v3 =	vperm.xlane v3, v2;
	v4 =	vadd.s32 v1, v4;
	_ =	sdelay $0x1  }
0xa9: {  	v3 =	vadd.s32 v1, v3;
	_ =	sdelay $0x2  }
0xaa: {  	[tilespmem:s24], [sflag:$0x2] =	stream.indirect_vreg.gather [hbm4b:s1+s3], $0x80, v4, vm0, $0xb8;
	[tilespmem:$0x10100] =	vst v63  }
0xab: {  	_ = 	snop  }
0xac: {  	[tilespmem:s25], [sflag:$0x2] =	stream.indirect_vreg.gather [hbm4b:s1+s3], $0x80, v3, vm0, $0xb8;
	[tilespmem:$0x10100] =	vst v63  }
0xad: {  	v3 =	vld [tilespmem:$0xE0];
	_ =	sdelay $0x4  }
0xae: {  	v62 =	vshll.u32 v3, $0x1  }
0xaf: {  	v3 =	vand.u32 $0x7, v3;
	v4 =	vand.u32 $0xFFFFFFF0, v62  }
0xb0: {  	v3 =	vor.u32 v3, v4  }
0xb1: {  	v4 =	vperm.xlane v3, v0;
	_ =	sdelay $0x1  }
0xb2: {  	v3 =	vperm.xlane v3, v2;
	v4 =	vadd.s32 v1, v4;
	_ =	sdelay $0x1  }
0xb3: {  	v3 =	vadd.s32 v1, v3;
	_ =	sdelay $0x2  }
0xb4: {  	[tilespmem:s26], [sflag:$0x2] =	stream.indirect_vreg.gather [hbm4b:s1+s3], $0x80, v4, vm0, $0xb8;
	[tilespmem:$0x10100] =	vst v63  }
0xb5: {  	_ = 	snop  }
0xb6: {  	[tilespmem:s28], [sflag:$0x2] =	stream.indirect_vreg.gather [hbm4b:s1+s3], $0x80, v3, vm0, $0xb8;
	[tilespmem:$0x10100] =	vst v63  }
0xb7: {  	v3 =	vld [tilespmem:$0xF0];
	_ =	sdelay $0x4  }
0xb8: {  	v63 =	vshll.u32 v3, $0x1  }
0xb9: {  	v3 =	vand.u32 $0x7, v3;
	v4 =	vand.u32 $0xFFFFFFF0, v63  }
0xba: {  	v3 =	vor.u32 v3, v4  }
0xbb: {  	v4 =	vperm.xlane v3, v0;
	_ =	sdelay $0x1  }
0xbc: {  	v3 =	vperm.xlane v3, v2;
	v4 =	vadd.s32 v1, v4;
	_ =	sdelay $0x1  }
0xbd: {  	v3 =	vadd.s32 v1, v3;
	_ =	sdelay $0x2  }
0xbe: {  	[tilespmem:s29], [sflag:$0x2] =	stream.indirect_vreg.gather [hbm4b:s1+s3], $0x80, v4, vm0, $0xb8;
	[tilespmem:$0x10100] =	vst v63  }
0xbf: {  	_ = 	snop  }
0xc0: {  	[tilespmem:s30], [sflag:$0x2] =	stream.indirect_vreg.gather [hbm4b:s1+s3], $0x80, v3, vm0, $0xb8;
	[tilespmem:$0x10100] =	vst v63  }
0xc1: {  	_ =	swait.ge [sflag:s31], $0x8000  }
0xc2: {  	[sflag:s31] =	ssyncset.done $0x0  }
0xc3: {  	s7 =	rddreg [dreg:$0x5];
	[sflag:s31] =	ssyncadd.s32 $0xFFFF8000  }
0xc4: {  	[hbm4b:s7+s3] =	stream.linear.scatter [tilespmem:s6], [sflag:$0x3], $0x8000, $0x38;
	[tilespmem:$0x10100] =	vst v63  }
0xc5: {  	_ =	swait.ge [sflag:s5], $0x8000  }
0xc6: {  	[sflag:s5] =	ssyncset.done $0x0  }
0xc7: {  	[sflag:s5] =	ssyncadd.s32 $0xFFFF8000  }
0xc8: {  	_ =	swait.ge [sflag:s2], $0x8000  }
0xc9: {  	p0 =	sne.s32 s4, $0x1;
	[sflag:s2] =	ssyncset.done $0x0  }
.Ltmp0:
0xca: {  	s7 =	rddreg [dreg:$0x6];
	[sflag:s2] =	ssyncadd.s32 $0xFFFF8000;
	(pc) =	sbr.rel @p0 .LBB2_1-.Ltmp0, $4  }
0xcb: {  	[hbm4b:s7+s3] =	stream.linear.scatter [tilespmem:s14], [sflag:$0x3], $0x8000, $0x38;
	[tilespmem:$0x10100] =	vst v63  }
0xcc: {  	_ =	swait.ge [sflag:s5], $0x8000  }
0xcd: {  	[sflag:s5] =	ssyncset.done $0x0  }
0xce: {  	s4 =	sadd.s32 $0xFFFFFFFF, s4;
	[sflag:s5] =	ssyncadd.s32 $0xFFFF8000  }
0xcf: {  	_ =	sfence.sel $0x180000  }
0xd0: {  	[bflag:$0x0] =	sbarrier.arrive $0xFFFF  }
0xd1: {  	_ =	strace $0x9000004A  }
0xd2: {  	s0 =	stileid.u32;
	[bflag:$0x2] =	sbarrier.arrive $0xFFFF  }
0xd3: {  	p0 =	sne.s32 s0, $0x0;
	s0 =	rddreg [dreg:$0x3]  }
0xd4: {  	s0 =	sadd.s32 @!p0 $0x100000, s0  }
0xd5: {  	[sflag:s0] =	ssyncadd.tile.s32 @!p0 $0x1;
	_ =	shalt  }
.Lfunc_end2:
_tile_overlayer_lowered:
.L_overlay_start_2:
0xd6: {  	(tag) =	ssettag $0x2  }
0xd7: {  	s0 =	rddreg [dreg:$0x0];
	s2 =	stileid.u32  }
0xd8: {  	s1 =	rddreg [dreg:$0x1];
	p0 =	sne.s32 s2, $0x0  }
0xd9: {  	s3 =	rddreg [dreg:$0x2];
	[bflag:$0x3] =	sbarrier.arrive $0xFFFF;
	s2 =	simm.s32 @!p0 $0x1C03  }
0xda: {  	[timem:s3], [sflag:s2] =	dma.local @!p0 [hbm:s0], s1  }
0xdb: {  	s0 =	simm.s32 @!p0 $0x3  }
0xdc: {  	_ =	swait.ge @!p0 [sflag:s0], s1  }
0xdd: {  	s1 =	ssub.s32 @!p0 $0x0, s1;
	[sflag:s0] =	ssyncset.done @!p0 $0x0  }
0xde: {  	[sflag:s0] =	ssyncadd.s32 @!p0 s1  }
0xdf: {  	[bflag:$0x3] =	sbarrier.arrive $0xFFFF  }
0xe0: {  	_ =	shalt  }

</sc_bundles>
